<compile_context>
chip_gen: v7x
topology: tpu7x:2x2x1
jax: 0.10.2.dev20260603
libtpu: 0.0.44.dev20260713+nightly
codegen_flags: <defaults>
</compile_context>

<pallas_src>
import functools

import jax
import jax.numpy as jnp
from jax import lax
from jax.experimental import pallas as pl
from jax.experimental.pallas import tpu as pltpu
from jax.experimental.pallas import tpu_sc as plsc

N_CLASS = 1000000
EMBED_DIM = 32
BATCH = 16384
FIELDS = 26
B_FLAT = BATCH * FIELDS

_NC = 2
_NS = 16
_NW = _NC * _NS

_CHUNK = 1024
_NCHUNKS = B_FLAT // (_NW * _CHUNK)
_IDX_ROWS = B_FLAT // _CHUNK


def _gather_body(idx_hbm, table_hbm, out_hbm, idx_v, rows_v0, rows_v1,
                 sem_g0, sem_g1, sem_w0, sem_w1):
    c = lax.axis_index("c")
    s = lax.axis_index("s")
    wid = s * _NC + c
    r0 = wid * _NCHUNKS

    pltpu.sync_copy(idx_hbm.at[pl.ds(r0, _NCHUNKS)], idx_v)

    rows_v = (rows_v0, rows_v1)
    sem_g = (sem_g0, sem_g1)
    sem_w = (sem_w0, sem_w1)
    gathers = [None] * _NCHUNKS
    writes = [None] * _NCHUNKS

    def start_chunk(i):
        p = i % 2
        gathers[i] = pltpu.async_copy(
            table_hbm.at[idx_v.at[i]], rows_v[p], sem_g[p])

    def drain_chunk(i):
        p = i % 2
        pos0 = (r0 + i) * _CHUNK
        f = pos0 // BATCH
        b0 = pos0 - f * BATCH
        gathers[i].wait()
        writes[i] = pltpu.async_copy(
            rows_v[p],
            out_hbm.at[pl.ds(b0, _CHUNK), f, pl.ds(0, EMBED_DIM)],
            sem_w[p])

    for i in range(_NCHUNKS):
        if i >= 2:
            writes[i - 2].wait()
        start_chunk(i)
        if i >= 1:
            drain_chunk(i - 1)
    drain_chunk(_NCHUNKS - 1)
    writes[_NCHUNKS - 2].wait()
    writes[_NCHUNKS - 1].wait()


@jax.jit
def _gather(idx2d, table):
    mesh = plsc.VectorSubcoreMesh(core_axis_name="c", subcore_axis_name="s")
    kern = functools.partial(
        pl.kernel,
        mesh=mesh,
        out_type=jax.ShapeDtypeStruct((BATCH, 32, 128), jnp.float32),
        scratch_types=[
            pltpu.VMEM((_NCHUNKS, _CHUNK), jnp.int32),
            pltpu.VMEM((_CHUNK, EMBED_DIM), jnp.float32),
            pltpu.VMEM((_CHUNK, EMBED_DIM), jnp.float32),
            pltpu.SemaphoreType.DMA,
            pltpu.SemaphoreType.DMA,
            pltpu.SemaphoreType.DMA,
            pltpu.SemaphoreType.DMA,
        ],
        compiler_params=pltpu.CompilerParams(use_tc_tiling_on_sc=False),
    )(_gather_body)
    return kern(idx2d, table)


def kernel(z_category, categ_embed_weight):
    idx2d = z_category.astype(jnp.int32).T.reshape(_IDX_ROWS, _CHUNK)
    out_pad = _gather(idx2d, categ_embed_weight)
    return out_pad[:, :FIELDS, :EMBED_DIM]

# --- scband reference (transcript-rebuilt; emitter-appended) ---
"""Pipeline reference for scband-embedding-f-16578573762590 (READ-ONLY COPY).

The authoritative reference and input builder live on the scoring server;
editing this copy changes nothing except your own understanding.
"""

import jax, jax.numpy as jnp
import numpy as np

N_CLASS = 1000000
EMBED_DIM = 32
BATCH = 16384
FIELDS = 26

def setup_inputs(seed: int = 0) -> dict:
    key = jax.random.key(seed)
    k_idx, k_w = jax.random.split(key)
    z_category = jax.random.randint(k_idx, (BATCH, FIELDS), 0, N_CLASS, dtype=jnp.int64 if jax.config.jax_enable_x64 else jnp.int32)
    # nn.Embedding default init: N(0, 1)
    categ_embed_weight = jax.random.normal(k_w, (N_CLASS, EMBED_DIM), dtype=jnp.float32)
    return {"z_category": z_category, "categ_embed_weight": categ_embed_weight}

def reference(z_category, categ_embed_weight):
    # categ_embedding = self.categ_embed(z_category.long())
    categ_embedding = jnp.take(categ_embed_weight, z_category, axis=0)
    return categ_embedding

if __name__ == "__main__":
    import jax
    _d = setup_inputs()
    print(jax.jit(kernel)(*tuple(_d.values())))

</pallas_src>

<mosaic_0001>
#map = affine_map<(d0, d1) -> (0, 0)>
#map1 = affine_map<(d0, d1) -> (0, 0, 0)>
module attributes {stable_mosaic.version = 14 : i64} {
  func.func @_gather_body(%arg0: i32, %arg1: i32, %arg2: memref<416x1024xi32, #tpu.memory_space<hbm>>, %arg3: memref<1000000x32xf32, #tpu.memory_space<hbm>>, %arg4: memref<16384x32x128xf32, #tpu.memory_space<hbm>>, %arg5: memref<13x1024xi32, #tpu.memory_space<vmem>>, %arg6: memref<1024x32xf32, #tpu.memory_space<vmem>>, %arg7: memref<1024x32xf32, #tpu.memory_space<vmem>>, %arg8: memref<!tpu.dma_semaphore, #tpu.memory_space<semaphore_mem>>, %arg9: memref<!tpu.dma_semaphore, #tpu.memory_space<semaphore_mem>>, %arg10: memref<!tpu.dma_semaphore, #tpu.memory_space<semaphore_mem>>, %arg11: memref<!tpu.dma_semaphore, #tpu.memory_space<semaphore_mem>>) attributes {dimension_semantics = [#tpu.dimension_semantics<core_parallel>, #tpu.dimension_semantics<subcore_parallel>], iteration_bounds = array<i64: 2, 16>, scalar_prefetch = 0 : i64, scratch_operands = 7 : i64, tpu.core_type = #tpu.core_type<sc_vector_subcore>, window_params = [{transform_indices = #map}, {transform_indices = #map}, {transform_indices = #map1}]} {
    %mul3A = arith.constant 2 : i32
    %mul3A_0 = arith.muli %arg1, %mul3A : i32
    %add3A = arith.addi %mul3A_0, %arg0 : i32
    %mul3A_1 = arith.constant 13 : i32
    %mul3A_2 = arith.muli %add3A, %mul3A_1 : i32
    "tpu.region"() ({
      %run_scoped3A = tpu.sem_alloc : memref<!tpu.dma_semaphore, #tpu.memory_space<semaphore_mem>>
      %dma_start3A_734 = arith.constant 0 : i32
      %dma_start3A_735 = tpu.memref_slice %arg2[%mul3A_2, %dma_start3A_734] : memref<416x1024xi32, #tpu.memory_space<hbm>> -> memref<13x1024xi32, #tpu.memory_space<hbm>>
      %dma_start3A_736 = arith.constant 0 : i32
      %dma_start3A_737 = tpu.memref_slice %arg2[%mul3A_2, %dma_start3A_736] : memref<416x1024xi32, #tpu.memory_space<hbm>> -> memref<13x1024xi32, #tpu.memory_space<hbm>>
      tpu.enqueue_dma source(%dma_start3A_737 : memref<13x1024xi32, #tpu.memory_space<hbm>>) target(%arg5 : memref<13x1024xi32, #tpu.memory_space<vmem>>) target_semaphore(%run_scoped3A : memref<!tpu.dma_semaphore, #tpu.memory_space<semaphore_mem>>)
      %dma_wait3A_738 = arith.constant 0 : i32
      %dma_wait3A_739 = tpu.memref_slice %arg2[%mul3A_2, %dma_wait3A_738] : memref<416x1024xi32, #tpu.memory_space<hbm>> -> memref<13x1024xi32, #tpu.memory_space<hbm>>
      %dma_wait3A_740 = arith.constant 0 : i32
      %dma_wait3A_741 = tpu.memref_slice %arg2[%mul3A_2, %dma_wait3A_740] : memref<416x1024xi32, #tpu.memory_space<hbm>> -> memref<13x1024xi32, #tpu.memory_space<hbm>>
      tpu.wait_dma2 semaphore(%run_scoped3A : memref<!tpu.dma_semaphore, #tpu.memory_space<semaphore_mem>>) src(%dma_wait3A_741 : memref<13x1024xi32, #tpu.memory_space<hbm>>) dst(%arg5 : memref<13x1024xi32, #tpu.memory_space<vmem>>)
      tpu.yield
    }) : () -> ()
    %dma_start3A = arith.constant 0 : i32
    %dma_start3A_3 = arith.constant 0 : i32
    %dma_start3A_4 = tpu.memref_slice %arg5[%dma_start3A, %dma_start3A_3] : memref<13x1024xi32, #tpu.memory_space<vmem>> -> memref<1x1024xi32, #tpu.memory_space<vmem>>
    %dma_start3A_5 = tpu.memref_squeeze %dma_start3A_4 : memref<1x1024xi32, #tpu.memory_space<vmem>> -> memref<1024xi32, #tpu.memory_space<vmem>>
    %dma_start3A_6 = arith.constant 0 : i32
    %dma_start3A_7 = arith.constant 0 : i32
    %dma_start3A_8 = tpu.memref_slice %arg3[%dma_start3A_6, %dma_start3A_7] : memref<1000000x32xf32, #tpu.memory_space<hbm>> -> memref<1000000x32xf32, #tpu.memory_space<hbm>>
    tpu.enqueue_indirect_dma source(%dma_start3A_8 : memref<1000000x32xf32, #tpu.memory_space<hbm>>) target(%arg6 : memref<1024x32xf32, #tpu.memory_space<vmem>>) offsets(%dma_start3A_5 : memref<1024xi32, #tpu.memory_space<vmem>>) semaphore(%arg8 : memref<!tpu.dma_semaphore, #tpu.memory_space<semaphore_mem>>)
    %dma_start3A_9 = arith.constant 1 : i32
    %dma_start3A_10 = arith.constant 0 : i32
    %dma_start3A_11 = tpu.memref_slice %arg5[%dma_start3A_9, %dma_start3A_10] : memref<13x1024xi32, #tpu.memory_space<vmem>> -> memref<1x1024xi32, #tpu.memory_space<vmem>>
    %dma_start3A_12 = tpu.memref_squeeze %dma_start3A_11 : memref<1x1024xi32, #tpu.memory_space<vmem>> -> memref<1024xi32, #tpu.memory_space<vmem>>
    %dma_start3A_13 = arith.constant 0 : i32
    %dma_start3A_14 = arith.constant 0 : i32
    %dma_start3A_15 = tpu.memref_slice %arg3[%dma_start3A_13, %dma_start3A_14] : memref<1000000x32xf32, #tpu.memory_space<hbm>> -> memref<1000000x32xf32, #tpu.memory_space<hbm>>
    tpu.enqueue_indirect_dma source(%dma_start3A_15 : memref<1000000x32xf32, #tpu.memory_space<hbm>>) target(%arg7 : memref<1024x32xf32, #tpu.memory_space<vmem>>) offsets(%dma_start3A_12 : memref<1024xi32, #tpu.memory_space<vmem>>) semaphore(%arg9 : memref<!tpu.dma_semaphore, #tpu.memory_space<semaphore_mem>>)
    %add3A_16 = arith.constant 0 : i32
    %add3A_17 = arith.addi %mul3A_2, %add3A_16 : i32
    %mul3A_18 = arith.constant 1024 : i32
    %mul3A_19 = arith.muli %add3A_17, %mul3A_18 : i32
    %jit3A = arith.constant 16384 : i32
    %div3A = arith.divsi %mul3A_19, %jit3A : i32
    %sign3A = arith.constant 0 : i32
    %sign3A_20 = arith.cmpi sgt, %mul3A_19, %sign3A : i32
    %sign3A_21 = arith.extui %sign3A_20 : i1 to i32
    %sign3A_22 = arith.constant 0 : i32
    %sign3A_23 = arith.cmpi slt, %mul3A_19, %sign3A_22 : i32
    %sign3A_24 = arith.extui %sign3A_23 : i1 to i32
    %sign3A_25 = arith.subi %sign3A_21, %sign3A_24 : i32
    %sign3A_26 = arith.constant 0 : i32
    %sign3A_27 = arith.cmpi sgt, %jit3A, %sign3A_26 : i32
    %sign3A_28 = arith.extui %sign3A_27 : i1 to i32
    %sign3A_29 = arith.constant 0 : i32
    %sign3A_30 = arith.cmpi slt, %jit3A, %sign3A_29 : i32
    %sign3A_31 = arith.extui %sign3A_30 : i1 to i32
    %sign3A_32 = arith.subi %sign3A_28, %sign3A_31 : i32
    %ne3A = arith.cmpi ne, %sign3A_25, %sign3A_32 : i32
    %rem3A = arith.remsi %mul3A_19, %jit3A : i32
    %ne3A_33 = arith.constant 0 : i32
    %ne3A_34 = arith.cmpi ne, %rem3A, %ne3A_33 : i32
    %and3A = arith.andi %ne3A, %ne3A_34 : i1
    %sub3A = arith.constant 1 : i32
    %sub3A_35 = arith.subi %div3A, %sub3A : i32
    %select_n3A = arith.select %and3A, %sub3A_35, %div3A : i32
    %mul3A_36 = arith.constant 16384 : i32
    %mul3A_37 = arith.muli %select_n3A, %mul3A_36 : i32
    %sub3A_38 = arith.subi %mul3A_19, %mul3A_37 : i32
    %dma_wait3A = arith.constant 0 : i32
    %dma_wait3A_39 = arith.constant 0 : i32
    %dma_wait3A_40 = tpu.memref_slice %arg5[%dma_wait3A, %dma_wait3A_39] : memref<13x1024xi32, #tpu.memory_space<vmem>> -> memref<1x1024xi32, #tpu.memory_space<vmem>>
    %dma_wait3A_41 = tpu.memref_squeeze %dma_wait3A_40 : memref<1x1024xi32, #tpu.memory_space<vmem>> -> memref<1024xi32, #tpu.memory_space<vmem>>
    %dma_wait3A_42 = arith.constant 0 : i32
    %dma_wait3A_43 = arith.constant 0 : i32
    %dma_wait3A_44 = tpu.memref_slice %arg3[%dma_wait3A_42, %dma_wait3A_43] : memref<1000000x32xf32, #tpu.memory_space<hbm>> -> memref<1000000x32xf32, #tpu.memory_space<hbm>>
    tpu.wait_indirect_dma semaphore(%arg8 : memref<!tpu.dma_semaphore, #tpu.memory_space<semaphore_mem>>) src(%dma_wait3A_44 : memref<1000000x32xf32, #tpu.memory_space<hbm>>) dst(%arg6 : memref<1024x32xf32, #tpu.memory_space<vmem>>)
    %dma_start3A_45 = arith.constant 0 : i32
    %dma_start3A_46 = tpu.memref_slice %arg4[%sub3A_38, %select_n3A, %dma_start3A_45] : memref<16384x32x128xf32, #tpu.memory_space<hbm>> -> memref<1024x1x32xf32, #tpu.memory_space<hbm>>
    %dma_start3A_47 = tpu.memref_squeeze %dma_start3A_46 : memref<1024x1x32xf32, #tpu.memory_space<hbm>> -> memref<1024x32xf32, #tpu.memory_space<hbm>>
    %dma_start3A_48 = arith.constant 0 : i32
    %dma_start3A_49 = tpu.memref_slice %arg4[%sub3A_38, %select_n3A, %dma_start3A_48] : memref<16384x32x128xf32, #tpu.memory_space<hbm>> -> memref<1024x1x32xf32, #tpu.memory_space<hbm>>
    %dma_start3A_50 = tpu.memref_squeeze %dma_start3A_49 : memref<1024x1x32xf32, #tpu.memory_space<hbm>> -> memref<1024x32xf32, #tpu.memory_space<hbm>>
    tpu.enqueue_dma source(%arg6 : memref<1024x32xf32, #tpu.memory_space<vmem>>) target(%dma_start3A_50 : memref<1024x32xf32, #tpu.memory_space<hbm>>) target_semaphore(%arg10 : memref<!tpu.dma_semaphore, #tpu.memory_space<semaphore_mem>>)
    %dma_wait3A_51 = arith.constant 0 : i32
    %dma_wait3A_52 = tpu.memref_slice %arg4[%sub3A_38, %select_n3A, %dma_wait3A_51] : memref<16384x32x128xf32, #tpu.memory_space<hbm>> -> memref<1024x1x32xf32, #tpu.memory_space<hbm>>
    %dma_wait3A_53 = tpu.memref_squeeze %dma_wait3A_52 : memref<1024x1x32xf32, #tpu.memory_space<hbm>> -> memref<1024x32xf32, #tpu.memory_space<hbm>>
    %dma_wait3A_54 = arith.constant 0 : i32
    %dma_wait3A_55 = tpu.memref_slice %arg4[%sub3A_38, %select_n3A, %dma_wait3A_54] : memref<16384x32x128xf32, #tpu.memory_space<hbm>> -> memref<1024x1x32xf32, #tpu.memory_space<hbm>>
    %dma_wait3A_56 = tpu.memref_squeeze %dma_wait3A_55 : memref<1024x1x32xf32, #tpu.memory_space<hbm>> -> memref<1024x32xf32, #tpu.memory_space<hbm>>
    tpu.wait_dma2 semaphore(%arg10 : memref<!tpu.dma_semaphore, #tpu.memory_space<semaphore_mem>>) src(%arg6 : memref<1024x32xf32, #tpu.memory_space<vmem>>) dst(%dma_wait3A_56 : memref<1024x32xf32, #tpu.memory_space<hbm>>)
    %dma_start3A_57 = arith.constant 2 : i32
    %dma_start3A_58 = arith.constant 0 : i32
    %dma_start3A_59 = tpu.memref_slice %arg5[%dma_start3A_57, %dma_start3A_58] : memref<13x1024xi32, #tpu.memory_space<vmem>> -> memref<1x1024xi32, #tpu.memory_space<vmem>>
    %dma_start3A_60 = tpu.memref_squeeze %dma_start3A_59 : memref<1x1024xi32, #tpu.memory_space<vmem>> -> memref<1024xi32, #tpu.memory_space<vmem>>
    %dma_start3A_61 = arith.constant 0 : i32
    %dma_start3A_62 = arith.constant 0 : i32
    %dma_start3A_63 = tpu.memref_slice %arg3[%dma_start3A_61, %dma_start3A_62] : memref<1000000x32xf32, #tpu.memory_space<hbm>> -> memref<1000000x32xf32, #tpu.memory_space<hbm>>
    tpu.enqueue_indirect_dma source(%dma_start3A_63 : memref<1000000x32xf32, #tpu.memory_space<hbm>>) target(%arg6 : memref<1024x32xf32, #tpu.memory_space<vmem>>) offsets(%dma_start3A_60 : memref<1024xi32, #tpu.memory_space<vmem>>) semaphore(%arg8 : memref<!tpu.dma_semaphore, #tpu.memory_space<semaphore_mem>>)
    %add3A_64 = arith.constant 1 : i32
    %add3A_65 = arith.addi %mul3A_2, %add3A_64 : i32
    %mul3A_66 = arith.constant 1024 : i32
    %mul3A_67 = arith.muli %add3A_65, %mul3A_66 : i32
    %jit3A_68 = arith.constant 16384 : i32
    %div3A_69 = arith.divsi %mul3A_67, %jit3A_68 : i32
    %sign3A_70 = arith.constant 0 : i32
    %sign3A_71 = arith.cmpi sgt, %mul3A_67, %sign3A_70 : i32
    %sign3A_72 = arith.extui %sign3A_71 : i1 to i32
    %sign3A_73 = arith.constant 0 : i32
    %sign3A_74 = arith.cmpi slt, %mul3A_67, %sign3A_73 : i32
    %sign3A_75 = arith.extui %sign3A_74 : i1 to i32
    %sign3A_76 = arith.subi %sign3A_72, %sign3A_75 : i32
    %sign3A_77 = arith.constant 0 : i32
    %sign3A_78 = arith.cmpi sgt, %jit3A_68, %sign3A_77 : i32
    %sign3A_79 = arith.extui %sign3A_78 : i1 to i32
    %sign3A_80 = arith.constant 0 : i32
    %sign3A_81 = arith.cmpi slt, %jit3A_68, %sign3A_80 : i32
    %sign3A_82 = arith.extui %sign3A_81 : i1 to i32
    %sign3A_83 = arith.subi %sign3A_79, %sign3A_82 : i32
    %ne3A_84 = arith.cmpi ne, %sign3A_76, %sign3A_83 : i32
    %rem3A_85 = arith.remsi %mul3A_67, %jit3A_68 : i32
    %ne3A_86 = arith.constant 0 : i32
    %ne3A_87 = arith.cmpi ne, %rem3A_85, %ne3A_86 : i32
    %and3A_88 = arith.andi %ne3A_84, %ne3A_87 : i1
    %sub3A_89 = arith.constant 1 : i32
    %sub3A_90 = arith.subi %div3A_69, %sub3A_89 : i32
    %select_n3A_91 = arith.select %and3A_88, %sub3A_90, %div3A_69 : i32
    %mul3A_92 = arith.constant 16384 : i32
    %mul3A_93 = arith.muli %select_n3A_91, %mul3A_92 : i32
    %sub3A_94 = arith.subi %mul3A_67, %mul3A_93 : i32
    %dma_wait3A_95 = arith.constant 1 : i32
    %dma_wait3A_96 = arith.constant 0 : i32
    %dma_wait3A_97 = tpu.memref_slice %arg5[%dma_wait3A_95, %dma_wait3A_96] : memref<13x1024xi32, #tpu.memory_space<vmem>> -> memref<1x1024xi32, #tpu.memory_space<vmem>>
    %dma_wait3A_98 = tpu.memref_squeeze %dma_wait3A_97 : memref<1x1024xi32, #tpu.memory_space<vmem>> -> memref<1024xi32, #tpu.memory_space<vmem>>
    %dma_wait3A_99 = arith.constant 0 : i32
    %dma_wait3A_100 = arith.constant 0 : i32
    %dma_wait3A_101 = tpu.memref_slice %arg3[%dma_wait3A_99, %dma_wait3A_100] : memref<1000000x32xf32, #tpu.memory_space<hbm>> -> memref<1000000x32xf32, #tpu.memory_space<hbm>>
    tpu.wait_indirect_dma semaphore(%arg9 : memref<!tpu.dma_semaphore, #tpu.memory_space<semaphore_mem>>) src(%dma_wait3A_101 : memref<1000000x32xf32, #tpu.memory_space<hbm>>) dst(%arg7 : memref<1024x32xf32, #tpu.memory_space<vmem>>)
    %dma_start3A_102 = arith.constant 0 : i32
    %dma_start3A_103 = tpu.memref_slice %arg4[%sub3A_94, %select_n3A_91, %dma_start3A_102] : memref<16384x32x128xf32, #tpu.memory_space<hbm>> -> memref<1024x1x32xf32, #tpu.memory_space<hbm>>
    %dma_start3A_104 = tpu.memref_squeeze %dma_start3A_103 : memref<1024x1x32xf32, #tpu.memory_space<hbm>> -> memref<1024x32xf32, #tpu.memory_space<hbm>>
    %dma_start3A_105 = arith.constant 0 : i32
    %dma_start3A_106 = tpu.memref_slice %arg4[%sub3A_94, %select_n3A_91, %dma_start3A_105] : memref<16384x32x128xf32, #tpu.memory_space<hbm>> -> memref<1024x1x32xf32, #tpu.memory_space<hbm>>
    %dma_start3A_107 = tpu.memref_squeeze %dma_start3A_106 : memref<1024x1x32xf32, #tpu.memory_space<hbm>> -> memref<1024x32xf32, #tpu.memory_space<hbm>>
    tpu.enqueue_dma source(%arg7 : memref<1024x32xf32, #tpu.memory_space<vmem>>) target(%dma_start3A_107 : memref<1024x32xf32, #tpu.memory_space<hbm>>) target_semaphore(%arg11 : memref<!tpu.dma_semaphore, #tpu.memory_space<semaphore_mem>>)
    %dma_wait3A_108 = arith.constant 0 : i32
    %dma_wait3A_109 = tpu.memref_slice %arg4[%sub3A_94, %select_n3A_91, %dma_wait3A_108] : memref<16384x32x128xf32, #tpu.memory_space<hbm>> -> memref<1024x1x32xf32, #tpu.memory_space<hbm>>
    %dma_wait3A_110 = tpu.memref_squeeze %dma_wait3A_109 : memref<1024x1x32xf32, #tpu.memory_space<hbm>> -> memref<1024x32xf32, #tpu.memory_space<hbm>>
    %dma_wait3A_111 = arith.constant 0 : i32
    %dma_wait3A_112 = tpu.memref_slice %arg4[%sub3A_94, %select_n3A_91, %dma_wait3A_111] : memref<16384x32x128xf32, #tpu.memory_space<hbm>> -> memref<1024x1x32xf32, #tpu.memory_space<hbm>>
    %dma_wait3A_113 = tpu.memref_squeeze %dma_wait3A_112 : memref<1024x1x32xf32, #tpu.memory_space<hbm>> -> memref<1024x32xf32, #tpu.memory_space<hbm>>
    tpu.wait_dma2 semaphore(%arg11 : memref<!tpu.dma_semaphore, #tpu.memory_space<semaphore_mem>>) src(%arg7 : memref<1024x32xf32, #tpu.memory_space<vmem>>) dst(%dma_wait3A_113 : memref<1024x32xf32, #tpu.memory_space<hbm>>)
    %dma_start3A_114 = arith.constant 3 : i32
    %dma_start3A_115 = arith.constant 0 : i32
    %dma_start3A_116 = tpu.memref_slice %arg5[%dma_start3A_114, %dma_start3A_115] : memref<13x1024xi32, #tpu.memory_space<vmem>> -> memref<1x1024xi32, #tpu.memory_space<vmem>>
    %dma_start3A_117 = tpu.memref_squeeze %dma_start3A_116 : memref<1x1024xi32, #tpu.memory_space<vmem>> -> memref<1024xi32, #tpu.memory_space<vmem>>
    %dma_start3A_118 = arith.constant 0 : i32
    %dma_start3A_119 = arith.constant 0 : i32
    %dma_start3A_120 = tpu.memref_slice %arg3[%dma_start3A_118, %dma_start3A_119] : memref<1000000x32xf32, #tpu.memory_space<hbm>> -> memref<1000000x32xf32, #tpu.memory_space<hbm>>
    tpu.enqueue_indirect_dma source(%dma_start3A_120 : memref<1000000x32xf32, #tpu.memory_space<hbm>>) target(%arg7 : memref<1024x32xf32, #tpu.memory_space<vmem>>) offsets(%dma_start3A_117 : memref<1024xi32, #tpu.memory_space<vmem>>) semaphore(%arg9 : memref<!tpu.dma_semaphore, #tpu.memory_space<semaphore_mem>>)
    %add3A_121 = arith.constant 2 : i32
    %add3A_122 = arith.addi %mul3A_2, %add3A_121 : i32
    %mul3A_123 = arith.constant 1024 : i32
    %mul3A_124 = arith.muli %add3A_122, %mul3A_123 : i32
    %jit3A_125 = arith.constant 16384 : i32
    %div3A_126 = arith.divsi %mul3A_124, %jit3A_125 : i32
    %sign3A_127 = arith.constant 0 : i32
    %sign3A_128 = arith.cmpi sgt, %mul3A_124, %sign3A_127 : i32
    %sign3A_129 = arith.extui %sign3A_128 : i1 to i32
    %sign3A_130 = arith.constant 0 : i32
    %sign3A_131 = arith.cmpi slt, %mul3A_124, %sign3A_130 : i32
    %sign3A_132 = arith.extui %sign3A_131 : i1 to i32
    %sign3A_133 = arith.subi %sign3A_129, %sign3A_132 : i32
    %sign3A_134 = arith.constant 0 : i32
    %sign3A_135 = arith.cmpi sgt, %jit3A_125, %sign3A_134 : i32
    %sign3A_136 = arith.extui %sign3A_135 : i1 to i32
    %sign3A_137 = arith.constant 0 : i32
    %sign3A_138 = arith.cmpi slt, %jit3A_125, %sign3A_137 : i32
    %sign3A_139 = arith.extui %sign3A_138 : i1 to i32
    %sign3A_140 = arith.subi %sign3A_136, %sign3A_139 : i32
    %ne3A_141 = arith.cmpi ne, %sign3A_133, %sign3A_140 : i32
    %rem3A_142 = arith.remsi %mul3A_124, %jit3A_125 : i32
    %ne3A_143 = arith.constant 0 : i32
    %ne3A_144 = arith.cmpi ne, %rem3A_142, %ne3A_143 : i32
    %and3A_145 = arith.andi %ne3A_141, %ne3A_144 : i1
    %sub3A_146 = arith.constant 1 : i32
    %sub3A_147 = arith.subi %div3A_126, %sub3A_146 : i32
    %select_n3A_148 = arith.select %and3A_145, %sub3A_147, %div3A_126 : i32
    %mul3A_149 = arith.constant 16384 : i32
    %mul3A_150 = arith.muli %select_n3A_148, %mul3A_149 : i32
    %sub3A_151 = arith.subi %mul3A_124, %mul3A_150 : i32
    %dma_wait3A_152 = arith.constant 2 : i32
    %dma_wait3A_153 = arith.constant 0 : i32
    %dma_wait3A_154 = tpu.memref_slice %arg5[%dma_wait3A_152, %dma_wait3A_153] : memref<13x1024xi32, #tpu.memory_space<vmem>> -> memref<1x1024xi32, #tpu.memory_space<vmem>>
    %dma_wait3A_155 = tpu.memref_squeeze %dma_wait3A_154 : memref<1x1024xi32, #tpu.memory_space<vmem>> -> memref<1024xi32, #tpu.memory_space<vmem>>
    %dma_wait3A_156 = arith.constant 0 : i32
    %dma_wait3A_157 = arith.constant 0 : i32
    %dma_wait3A_158 = tpu.memref_slice %arg3[%dma_wait3A_156, %dma_wait3A_157] : memref<1000000x32xf32, #tpu.memory_space<hbm>> -> memref<1000000x32xf32, #tpu.memory_space<hbm>>
    tpu.wait_indirect_dma semaphore(%arg8 : memref<!tpu.dma_semaphore, #tpu.memory_space<semaphore_mem>>) src(%dma_wait3A_158 : memref<1000000x32xf32, #tpu.memory_space<hbm>>) dst(%arg6 : memref<1024x32xf32, #tpu.memory_space<vmem>>)
    %dma_start3A_159 = arith.constant 0 : i32
    %dma_start3A_160 = tpu.memref_slice %arg4[%sub3A_151, %select_n3A_148, %dma_start3A_159] : memref<16384x32x128xf32, #tpu.memory_space<hbm>> -> memref<1024x1x32xf32, #tpu.memory_space<hbm>>
    %dma_start3A_161 = tpu.memref_squeeze %dma_start3A_160 : memref<1024x1x32xf32, #tpu.memory_space<hbm>> -> memref<1024x32xf32, #tpu.memory_space<hbm>>
    %dma_start3A_162 = arith.constant 0 : i32
    %dma_start3A_163 = tpu.memref_slice %arg4[%sub3A_151, %select_n3A_148, %dma_start3A_162] : memref<16384x32x128xf32, #tpu.memory_space<hbm>> -> memref<1024x1x32xf32, #tpu.memory_space<hbm>>
    %dma_start3A_164 = tpu.memref_squeeze %dma_start3A_163 : memref<1024x1x32xf32, #tpu.memory_space<hbm>> -> memref<1024x32xf32, #tpu.memory_space<hbm>>
    tpu.enqueue_dma source(%arg6 : memref<1024x32xf32, #tpu.memory_space<vmem>>) target(%dma_start3A_164 : memref<1024x32xf32, #tpu.memory_space<hbm>>) target_semaphore(%arg10 : memref<!tpu.dma_semaphore, #tpu.memory_space<semaphore_mem>>)
    %dma_wait3A_165 = arith.constant 0 : i32
    %dma_wait3A_166 = tpu.memref_slice %arg4[%sub3A_151, %select_n3A_148, %dma_wait3A_165] : memref<16384x32x128xf32, #tpu.memory_space<hbm>> -> memref<1024x1x32xf32, #tpu.memory_space<hbm>>
    %dma_wait3A_167 = tpu.memref_squeeze %dma_wait3A_166 : memref<1024x1x32xf32, #tpu.memory_space<hbm>> -> memref<1024x32xf32, #tpu.memory_space<hbm>>
    %dma_wait3A_168 = arith.constant 0 : i32
    %dma_wait3A_169 = tpu.memref_slice %arg4[%sub3A_151, %select_n3A_148, %dma_wait3A_168] : memref<16384x32x128xf32, #tpu.memory_space<hbm>> -> memref<1024x1x32xf32, #tpu.memory_space<hbm>>
    %dma_wait3A_170 = tpu.memref_squeeze %dma_wait3A_169 : memref<1024x1x32xf32, #tpu.memory_space<hbm>> -> memref<1024x32xf32, #tpu.memory_space<hbm>>
    tpu.wait_dma2 semaphore(%arg10 : memref<!tpu.dma_semaphore, #tpu.memory_space<semaphore_mem>>) src(%arg6 : memref<1024x32xf32, #tpu.memory_space<vmem>>) dst(%dma_wait3A_170 : memref<1024x32xf32, #tpu.memory_space<hbm>>)
    %dma_start3A_171 = arith.constant 4 : i32
    %dma_start3A_172 = arith.constant 0 : i32
    %dma_start3A_173 = tpu.memref_slice %arg5[%dma_start3A_171, %dma_start3A_172] : memref<13x1024xi32, #tpu.memory_space<vmem>> -> memref<1x1024xi32, #tpu.memory_space<vmem>>
    %dma_start3A_174 = tpu.memref_squeeze %dma_start3A_173 : memref<1x1024xi32, #tpu.memory_space<vmem>> -> memref<1024xi32, #tpu.memory_space<vmem>>
    %dma_start3A_175 = arith.constant 0 : i32
    %dma_start3A_176 = arith.constant 0 : i32
    %dma_start3A_177 = tpu.memref_slice %arg3[%dma_start3A_175, %dma_start3A_176] : memref<1000000x32xf32, #tpu.memory_space<hbm>> -> memref<1000000x32xf32, #tpu.memory_space<hbm>>
    tpu.enqueue_indirect_dma source(%dma_start3A_177 : memref<1000000x32xf32, #tpu.memory_space<hbm>>) target(%arg6 : memref<1024x32xf32, #tpu.memory_space<vmem>>) offsets(%dma_start3A_174 : memref<1024xi32, #tpu.memory_space<vmem>>) semaphore(%arg8 : memref<!tpu.dma_semaphore, #tpu.memory_space<semaphore_mem>>)
    %add3A_178 = arith.constant 3 : i32
    %add3A_179 = arith.addi %mul3A_2, %add3A_178 : i32
    %mul3A_180 = arith.constant 1024 : i32
    %mul3A_181 = arith.muli %add3A_179, %mul3A_180 : i32
    %jit3A_182 = arith.constant 16384 : i32
    %div3A_183 = arith.divsi %mul3A_181, %jit3A_182 : i32
    %sign3A_184 = arith.constant 0 : i32
    %sign3A_185 = arith.cmpi sgt, %mul3A_181, %sign3A_184 : i32
    %sign3A_186 = arith.extui %sign3A_185 : i1 to i32
    %sign3A_187 = arith.constant 0 : i32
    %sign3A_188 = arith.cmpi slt, %mul3A_181, %sign3A_187 : i32
    %sign3A_189 = arith.extui %sign3A_188 : i1 to i32
    %sign3A_190 = arith.subi %sign3A_186, %sign3A_189 : i32
    %sign3A_191 = arith.constant 0 : i32
    %sign3A_192 = arith.cmpi sgt, %jit3A_182, %sign3A_191 : i32
    %sign3A_193 = arith.extui %sign3A_192 : i1 to i32
    %sign3A_194 = arith.constant 0 : i32
    %sign3A_195 = arith.cmpi slt, %jit3A_182, %sign3A_194 : i32
    %sign3A_196 = arith.extui %sign3A_195 : i1 to i32
    %sign3A_197 = arith.subi %sign3A_193, %sign3A_196 : i32
    %ne3A_198 = arith.cmpi ne, %sign3A_190, %sign3A_197 : i32
    %rem3A_199 = arith.remsi %mul3A_181, %jit3A_182 : i32
    %ne3A_200 = arith.constant 0 : i32
    %ne3A_201 = arith.cmpi ne, %rem3A_199, %ne3A_200 : i32
    %and3A_202 = arith.andi %ne3A_198, %ne3A_201 : i1
    %sub3A_203 = arith.constant 1 : i32
    %sub3A_204 = arith.subi %div3A_183, %sub3A_203 : i32
    %select_n3A_205 = arith.select %and3A_202, %sub3A_204, %div3A_183 : i32
    %mul3A_206 = arith.constant 16384 : i32
    %mul3A_207 = arith.muli %select_n3A_205, %mul3A_206 : i32
    %sub3A_208 = arith.subi %mul3A_181, %mul3A_207 : i32
    %dma_wait3A_209 = arith.constant 3 : i32
    %dma_wait3A_210 = arith.constant 0 : i32
    %dma_wait3A_211 = tpu.memref_slice %arg5[%dma_wait3A_209, %dma_wait3A_210] : memref<13x1024xi32, #tpu.memory_space<vmem>> -> memref<1x1024xi32, #tpu.memory_space<vmem>>
    %dma_wait3A_212 = tpu.memref_squeeze %dma_wait3A_211 : memref<1x1024xi32, #tpu.memory_space<vmem>> -> memref<1024xi32, #tpu.memory_space<vmem>>
    %dma_wait3A_213 = arith.constant 0 : i32
    %dma_wait3A_214 = arith.constant 0 : i32
    %dma_wait3A_215 = tpu.memref_slice %arg3[%dma_wait3A_213, %dma_wait3A_214] : memref<1000000x32xf32, #tpu.memory_space<hbm>> -> memref<1000000x32xf32, #tpu.memory_space<hbm>>
    tpu.wait_indirect_dma semaphore(%arg9 : memref<!tpu.dma_semaphore, #tpu.memory_space<semaphore_mem>>) src(%dma_wait3A_215 : memref<1000000x32xf32, #tpu.memory_space<hbm>>) dst(%arg7 : memref<1024x32xf32, #tpu.memory_space<vmem>>)
    %dma_start3A_216 = arith.constant 0 : i32
    %dma_start3A_217 = tpu.memref_slice %arg4[%sub3A_208, %select_n3A_205, %dma_start3A_216] : memref<16384x32x128xf32, #tpu.memory_space<hbm>> -> memref<1024x1x32xf32, #tpu.memory_space<hbm>>
    %dma_start3A_218 = tpu.memref_squeeze %dma_start3A_217 : memref<1024x1x32xf32, #tpu.memory_space<hbm>> -> memref<1024x32xf32, #tpu.memory_space<hbm>>
    %dma_start3A_219 = arith.constant 0 : i32
    %dma_start3A_220 = tpu.memref_slice %arg4[%sub3A_208, %select_n3A_205, %dma_start3A_219] : memref<16384x32x128xf32, #tpu.memory_space<hbm>> -> memref<1024x1x32xf32, #tpu.memory_space<hbm>>
    %dma_start3A_221 = tpu.memref_squeeze %dma_start3A_220 : memref<1024x1x32xf32, #tpu.memory_space<hbm>> -> memref<1024x32xf32, #tpu.memory_space<hbm>>
    tpu.enqueue_dma source(%arg7 : memref<1024x32xf32, #tpu.memory_space<vmem>>) target(%dma_start3A_221 : memref<1024x32xf32, #tpu.memory_space<hbm>>) target_semaphore(%arg11 : memref<!tpu.dma_semaphore, #tpu.memory_space<semaphore_mem>>)
    %dma_wait3A_222 = arith.constant 0 : i32
    %dma_wait3A_223 = tpu.memref_slice %arg4[%sub3A_208, %select_n3A_205, %dma_wait3A_222] : memref<16384x32x128xf32, #tpu.memory_space<hbm>> -> memref<1024x1x32xf32, #tpu.memory_space<hbm>>
    %dma_wait3A_224 = tpu.memref_squeeze %dma_wait3A_223 : memref<1024x1x32xf32, #tpu.memory_space<hbm>> -> memref<1024x32xf32, #tpu.memory_space<hbm>>
    %dma_wait3A_225 = arith.constant 0 : i32
    %dma_wait3A_226 = tpu.memref_slice %arg4[%sub3A_208, %select_n3A_205, %dma_wait3A_225] : memref<16384x32x128xf32, #tpu.memory_space<hbm>> -> memref<1024x1x32xf32, #tpu.memory_space<hbm>>
    %dma_wait3A_227 = tpu.memref_squeeze %dma_wait3A_226 : memref<1024x1x32xf32, #tpu.memory_space<hbm>> -> memref<1024x32xf32, #tpu.memory_space<hbm>>
    tpu.wait_dma2 semaphore(%arg11 : memref<!tpu.dma_semaphore, #tpu.memory_space<semaphore_mem>>) src(%arg7 : memref<1024x32xf32, #tpu.memory_space<vmem>>) dst(%dma_wait3A_227 : memref<1024x32xf32, #tpu.memory_space<hbm>>)
    %dma_start3A_228 = arith.constant 5 : i32
    %dma_start3A_229 = arith.constant 0 : i32
    %dma_start3A_230 = tpu.memref_slice %arg5[%dma_start3A_228, %dma_start3A_229] : memref<13x1024xi32, #tpu.memory_space<vmem>> -> memref<1x1024xi32, #tpu.memory_space<vmem>>
    %dma_start3A_231 = tpu.memref_squeeze %dma_start3A_230 : memref<1x1024xi32, #tpu.memory_space<vmem>> -> memref<1024xi32, #tpu.memory_space<vmem>>
    %dma_start3A_232 = arith.constant 0 : i32
    %dma_start3A_233 = arith.constant 0 : i32
    %dma_start3A_234 = tpu.memref_slice %arg3[%dma_start3A_232, %dma_start3A_233] : memref<1000000x32xf32, #tpu.memory_space<hbm>> -> memref<1000000x32xf32, #tpu.memory_space<hbm>>
    tpu.enqueue_indirect_dma source(%dma_start3A_234 : memref<1000000x32xf32, #tpu.memory_space<hbm>>) target(%arg7 : memref<1024x32xf32, #tpu.memory_space<vmem>>) offsets(%dma_start3A_231 : memref<1024xi32, #tpu.memory_space<vmem>>) semaphore(%arg9 : memref<!tpu.dma_semaphore, #tpu.memory_space<semaphore_mem>>)
    %add3A_235 = arith.constant 4 : i32
    %add3A_236 = arith.addi %mul3A_2, %add3A_235 : i32
    %mul3A_237 = arith.constant 1024 : i32
    %mul3A_238 = arith.muli %add3A_236, %mul3A_237 : i32
    %jit3A_239 = arith.constant 16384 : i32
    %div3A_240 = arith.divsi %mul3A_238, %jit3A_239 : i32
    %sign3A_241 = arith.constant 0 : i32
    %sign3A_242 = arith.cmpi sgt, %mul3A_238, %sign3A_241 : i32
    %sign3A_243 = arith.extui %sign3A_242 : i1 to i32
    %sign3A_244 = arith.constant 0 : i32
    %sign3A_245 = arith.cmpi slt, %mul3A_238, %sign3A_244 : i32
    %sign3A_246 = arith.extui %sign3A_245 : i1 to i32
    %sign3A_247 = arith.subi %sign3A_243, %sign3A_246 : i32
    %sign3A_248 = arith.constant 0 : i32
    %sign3A_249 = arith.cmpi sgt, %jit3A_239, %sign3A_248 : i32
    %sign3A_250 = arith.extui %sign3A_249 : i1 to i32
    %sign3A_251 = arith.constant 0 : i32
    %sign3A_252 = arith.cmpi slt, %jit3A_239, %sign3A_251 : i32
    %sign3A_253 = arith.extui %sign3A_252 : i1 to i32
    %sign3A_254 = arith.subi %sign3A_250, %sign3A_253 : i32
    %ne3A_255 = arith.cmpi ne, %sign3A_247, %sign3A_254 : i32
    %rem3A_256 = arith.remsi %mul3A_238, %jit3A_239 : i32
    %ne3A_257 = arith.constant 0 : i32
    %ne3A_258 = arith.cmpi ne, %rem3A_256, %ne3A_257 : i32
    %and3A_259 = arith.andi %ne3A_255, %ne3A_258 : i1
    %sub3A_260 = arith.constant 1 : i32
    %sub3A_261 = arith.subi %div3A_240, %sub3A_260 : i32
    %select_n3A_262 = arith.select %and3A_259, %sub3A_261, %div3A_240 : i32
    %mul3A_263 = arith.constant 16384 : i32
    %mul3A_264 = arith.muli %select_n3A_262, %mul3A_263 : i32
    %sub3A_265 = arith.subi %mul3A_238, %mul3A_264 : i32
    %dma_wait3A_266 = arith.constant 4 : i32
    %dma_wait3A_267 = arith.constant 0 : i32
    %dma_wait3A_268 = tpu.memref_slice %arg5[%dma_wait3A_266, %dma_wait3A_267] : memref<13x1024xi32, #tpu.memory_space<vmem>> -> memref<1x1024xi32, #tpu.memory_space<vmem>>
    %dma_wait3A_269 = tpu.memref_squeeze %dma_wait3A_268 : memref<1x1024xi32, #tpu.memory_space<vmem>> -> memref<1024xi32, #tpu.memory_space<vmem>>
    %dma_wait3A_270 = arith.constant 0 : i32
    %dma_wait3A_271 = arith.constant 0 : i32
    %dma_wait3A_272 = tpu.memref_slice %arg3[%dma_wait3A_270, %dma_wait3A_271] : memref<1000000x32xf32, #tpu.memory_space<hbm>> -> memref<1000000x32xf32, #tpu.memory_space<hbm>>
    tpu.wait_indirect_dma semaphore(%arg8 : memref<!tpu.dma_semaphore, #tpu.memory_space<semaphore_mem>>) src(%dma_wait3A_272 : memref<1000000x32xf32, #tpu.memory_space<hbm>>) dst(%arg6 : memref<1024x32xf32, #tpu.memory_space<vmem>>)
    %dma_start3A_273 = arith.constant 0 : i32
    %dma_start3A_274 = tpu.memref_slice %arg4[%sub3A_265, %select_n3A_262, %dma_start3A_273] : memref<16384x32x128xf32, #tpu.memory_space<hbm>> -> memref<1024x1x32xf32, #tpu.memory_space<hbm>>
    %dma_start3A_275 = tpu.memref_squeeze %dma_start3A_274 : memref<1024x1x32xf32, #tpu.memory_space<hbm>> -> memref<1024x32xf32, #tpu.memory_space<hbm>>
    %dma_start3A_276 = arith.constant 0 : i32
    %dma_start3A_277 = tpu.memref_slice %arg4[%sub3A_265, %select_n3A_262, %dma_start3A_276] : memref<16384x32x128xf32, #tpu.memory_space<hbm>> -> memref<1024x1x32xf32, #tpu.memory_space<hbm>>
    %dma_start3A_278 = tpu.memref_squeeze %dma_start3A_277 : memref<1024x1x32xf32, #tpu.memory_space<hbm>> -> memref<1024x32xf32, #tpu.memory_space<hbm>>
    tpu.enqueue_dma source(%arg6 : memref<1024x32xf32, #tpu.memory_space<vmem>>) target(%dma_start3A_278 : memref<1024x32xf32, #tpu.memory_space<hbm>>) target_semaphore(%arg10 : memref<!tpu.dma_semaphore, #tpu.memory_space<semaphore_mem>>)
    %dma_wait3A_279 = arith.constant 0 : i32
    %dma_wait3A_280 = tpu.memref_slice %arg4[%sub3A_265, %select_n3A_262, %dma_wait3A_279] : memref<16384x32x128xf32, #tpu.memory_space<hbm>> -> memref<1024x1x32xf32, #tpu.memory_space<hbm>>
    %dma_wait3A_281 = tpu.memref_squeeze %dma_wait3A_280 : memref<1024x1x32xf32, #tpu.memory_space<hbm>> -> memref<1024x32xf32, #tpu.memory_space<hbm>>
    %dma_wait3A_282 = arith.constant 0 : i32
    %dma_wait3A_283 = tpu.memref_slice %arg4[%sub3A_265, %select_n3A_262, %dma_wait3A_282] : memref<16384x32x128xf32, #tpu.memory_space<hbm>> -> memref<1024x1x32xf32, #tpu.memory_space<hbm>>
    %dma_wait3A_284 = tpu.memref_squeeze %dma_wait3A_283 : memref<1024x1x32xf32, #tpu.memory_space<hbm>> -> memref<1024x32xf32, #tpu.memory_space<hbm>>
    tpu.wait_dma2 semaphore(%arg10 : memref<!tpu.dma_semaphore, #tpu.memory_space<semaphore_mem>>) src(%arg6 : memref<1024x32xf32, #tpu.memory_space<vmem>>) dst(%dma_wait3A_284 : memref<1024x32xf32, #tpu.memory_space<hbm>>)
    %dma_start3A_285 = arith.constant 6 : i32
    %dma_start3A_286 = arith.constant 0 : i32
    %dma_start3A_287 = tpu.memref_slice %arg5[%dma_start3A_285, %dma_start3A_286] : memref<13x1024xi32, #tpu.memory_space<vmem>> -> memref<1x1024xi32, #tpu.memory_space<vmem>>
    %dma_start3A_288 = tpu.memref_squeeze %dma_start3A_287 : memref<1x1024xi32, #tpu.memory_space<vmem>> -> memref<1024xi32, #tpu.memory_space<vmem>>
    %dma_start3A_289 = arith.constant 0 : i32
    %dma_start3A_290 = arith.constant 0 : i32
    %dma_start3A_291 = tpu.memref_slice %arg3[%dma_start3A_289, %dma_start3A_290] : memref<1000000x32xf32, #tpu.memory_space<hbm>> -> memref<1000000x32xf32, #tpu.memory_space<hbm>>
    tpu.enqueue_indirect_dma source(%dma_start3A_291 : memref<1000000x32xf32, #tpu.memory_space<hbm>>) target(%arg6 : memref<1024x32xf32, #tpu.memory_space<vmem>>) offsets(%dma_start3A_288 : memref<1024xi32, #tpu.memory_space<vmem>>) semaphore(%arg8 : memref<!tpu.dma_semaphore, #tpu.memory_space<semaphore_mem>>)
    %add3A_292 = arith.constant 5 : i32
    %add3A_293 = arith.addi %mul3A_2, %add3A_292 : i32
    %mul3A_294 = arith.constant 1024 : i32
    %mul3A_295 = arith.muli %add3A_293, %mul3A_294 : i32
    %jit3A_296 = arith.constant 16384 : i32
    %div3A_297 = arith.divsi %mul3A_295, %jit3A_296 : i32
    %sign3A_298 = arith.constant 0 : i32
    %sign3A_299 = arith.cmpi sgt, %mul3A_295, %sign3A_298 : i32
    %sign3A_300 = arith.extui %sign3A_299 : i1 to i32
    %sign3A_301 = arith.constant 0 : i32
    %sign3A_302 = arith.cmpi slt, %mul3A_295, %sign3A_301 : i32
    %sign3A_303 = arith.extui %sign3A_302 : i1 to i32
    %sign3A_304 = arith.subi %sign3A_300, %sign3A_303 : i32
    %sign3A_305 = arith.constant 0 : i32
    %sign3A_306 = arith.cmpi sgt, %jit3A_296, %sign3A_305 : i32
    %sign3A_307 = arith.extui %sign3A_306 : i1 to i32
    %sign3A_308 = arith.constant 0 : i32
    %sign3A_309 = arith.cmpi slt, %jit3A_296, %sign3A_308 : i32
    %sign3A_310 = arith.extui %sign3A_309 : i1 to i32
    %sign3A_311 = arith.subi %sign3A_307, %sign3A_310 : i32
    %ne3A_312 = arith.cmpi ne, %sign3A_304, %sign3A_311 : i32
    %rem3A_313 = arith.remsi %mul3A_295, %jit3A_296 : i32
    %ne3A_314 = arith.constant 0 : i32
    %ne3A_315 = arith.cmpi ne, %rem3A_313, %ne3A_314 : i32
    %and3A_316 = arith.andi %ne3A_312, %ne3A_315 : i1
    %sub3A_317 = arith.constant 1 : i32
    %sub3A_318 = arith.subi %div3A_297, %sub3A_317 : i32
    %select_n3A_319 = arith.select %and3A_316, %sub3A_318, %div3A_297 : i32
    %mul3A_320 = arith.constant 16384 : i32
    %mul3A_321 = arith.muli %select_n3A_319, %mul3A_320 : i32
    %sub3A_322 = arith.subi %mul3A_295, %mul3A_321 : i32
    %dma_wait3A_323 = arith.constant 5 : i32
    %dma_wait3A_324 = arith.constant 0 : i32
    %dma_wait3A_325 = tpu.memref_slice %arg5[%dma_wait3A_323, %dma_wait3A_324] : memref<13x1024xi32, #tpu.memory_space<vmem>> -> memref<1x1024xi32, #tpu.memory_space<vmem>>
    %dma_wait3A_326 = tpu.memref_squeeze %dma_wait3A_325 : memref<1x1024xi32, #tpu.memory_space<vmem>> -> memref<1024xi32, #tpu.memory_space<vmem>>
    %dma_wait3A_327 = arith.constant 0 : i32
    %dma_wait3A_328 = arith.constant 0 : i32
    %dma_wait3A_329 = tpu.memref_slice %arg3[%dma_wait3A_327, %dma_wait3A_328] : memref<1000000x32xf32, #tpu.memory_space<hbm>> -> memref<1000000x32xf32, #tpu.memory_space<hbm>>
    tpu.wait_indirect_dma semaphore(%arg9 : memref<!tpu.dma_semaphore, #tpu.memory_space<semaphore_mem>>) src(%dma_wait3A_329 : memref<1000000x32xf32, #tpu.memory_space<hbm>>) dst(%arg7 : memref<1024x32xf32, #tpu.memory_space<vmem>>)
    %dma_start3A_330 = arith.constant 0 : i32
    %dma_start3A_331 = tpu.memref_slice %arg4[%sub3A_322, %select_n3A_319, %dma_start3A_330] : memref<16384x32x128xf32, #tpu.memory_space<hbm>> -> memref<1024x1x32xf32, #tpu.memory_space<hbm>>
    %dma_start3A_332 = tpu.memref_squeeze %dma_start3A_331 : memref<1024x1x32xf32, #tpu.memory_space<hbm>> -> memref<1024x32xf32, #tpu.memory_space<hbm>>
    %dma_start3A_333 = arith.constant 0 : i32
    %dma_start3A_334 = tpu.memref_slice %arg4[%sub3A_322, %select_n3A_319, %dma_start3A_333] : memref<16384x32x128xf32, #tpu.memory_space<hbm>> -> memref<1024x1x32xf32, #tpu.memory_space<hbm>>
    %dma_start3A_335 = tpu.memref_squeeze %dma_start3A_334 : memref<1024x1x32xf32, #tpu.memory_space<hbm>> -> memref<1024x32xf32, #tpu.memory_space<hbm>>
    tpu.enqueue_dma source(%arg7 : memref<1024x32xf32, #tpu.memory_space<vmem>>) target(%dma_start3A_335 : memref<1024x32xf32, #tpu.memory_space<hbm>>) target_semaphore(%arg11 : memref<!tpu.dma_semaphore, #tpu.memory_space<semaphore_mem>>)
    %dma_wait3A_336 = arith.constant 0 : i32
    %dma_wait3A_337 = tpu.memref_slice %arg4[%sub3A_322, %select_n3A_319, %dma_wait3A_336] : memref<16384x32x128xf32, #tpu.memory_space<hbm>> -> memref<1024x1x32xf32, #tpu.memory_space<hbm>>
    %dma_wait3A_338 = tpu.memref_squeeze %dma_wait3A_337 : memref<1024x1x32xf32, #tpu.memory_space<hbm>> -> memref<1024x32xf32, #tpu.memory_space<hbm>>
    %dma_wait3A_339 = arith.constant 0 : i32
    %dma_wait3A_340 = tpu.memref_slice %arg4[%sub3A_322, %select_n3A_319, %dma_wait3A_339] : memref<16384x32x128xf32, #tpu.memory_space<hbm>> -> memref<1024x1x32xf32, #tpu.memory_space<hbm>>
    %dma_wait3A_341 = tpu.memref_squeeze %dma_wait3A_340 : memref<1024x1x32xf32, #tpu.memory_space<hbm>> -> memref<1024x32xf32, #tpu.memory_space<hbm>>
    tpu.wait_dma2 semaphore(%arg11 : memref<!tpu.dma_semaphore, #tpu.memory_space<semaphore_mem>>) src(%arg7 : memref<1024x32xf32, #tpu.memory_space<vmem>>) dst(%dma_wait3A_341 : memref<1024x32xf32, #tpu.memory_space<hbm>>)
    %dma_start3A_342 = arith.constant 7 : i32
    %dma_start3A_343 = arith.constant 0 : i32
    %dma_start3A_344 = tpu.memref_slice %arg5[%dma_start3A_342, %dma_start3A_343] : memref<13x1024xi32, #tpu.memory_space<vmem>> -> memref<1x1024xi32, #tpu.memory_space<vmem>>
    %dma_start3A_345 = tpu.memref_squeeze %dma_start3A_344 : memref<1x1024xi32, #tpu.memory_space<vmem>> -> memref<1024xi32, #tpu.memory_space<vmem>>
    %dma_start3A_346 = arith.constant 0 : i32
    %dma_start3A_347 = arith.constant 0 : i32
    %dma_start3A_348 = tpu.memref_slice %arg3[%dma_start3A_346, %dma_start3A_347] : memref<1000000x32xf32, #tpu.memory_space<hbm>> -> memref<1000000x32xf32, #tpu.memory_space<hbm>>
    tpu.enqueue_indirect_dma source(%dma_start3A_348 : memref<1000000x32xf32, #tpu.memory_space<hbm>>) target(%arg7 : memref<1024x32xf32, #tpu.memory_space<vmem>>) offsets(%dma_start3A_345 : memref<1024xi32, #tpu.memory_space<vmem>>) semaphore(%arg9 : memref<!tpu.dma_semaphore, #tpu.memory_space<semaphore_mem>>)
    %add3A_349 = arith.constant 6 : i32
    %add3A_350 = arith.addi %mul3A_2, %add3A_349 : i32
    %mul3A_351 = arith.constant 1024 : i32
    %mul3A_352 = arith.muli %add3A_350, %mul3A_351 : i32
    %jit3A_353 = arith.constant 16384 : i32
    %div3A_354 = arith.divsi %mul3A_352, %jit3A_353 : i32
    %sign3A_355 = arith.constant 0 : i32
    %sign3A_356 = arith.cmpi sgt, %mul3A_352, %sign3A_355 : i32
    %sign3A_357 = arith.extui %sign3A_356 : i1 to i32
    %sign3A_358 = arith.constant 0 : i32
    %sign3A_359 = arith.cmpi slt, %mul3A_352, %sign3A_358 : i32
    %sign3A_360 = arith.extui %sign3A_359 : i1 to i32
    %sign3A_361 = arith.subi %sign3A_357, %sign3A_360 : i32
    %sign3A_362 = arith.constant 0 : i32
    %sign3A_363 = arith.cmpi sgt, %jit3A_353, %sign3A_362 : i32
    %sign3A_364 = arith.extui %sign3A_363 : i1 to i32
    %sign3A_365 = arith.constant 0 : i32
    %sign3A_366 = arith.cmpi slt, %jit3A_353, %sign3A_365 : i32
    %sign3A_367 = arith.extui %sign3A_366 : i1 to i32
    %sign3A_368 = arith.subi %sign3A_364, %sign3A_367 : i32
    %ne3A_369 = arith.cmpi ne, %sign3A_361, %sign3A_368 : i32
    %rem3A_370 = arith.remsi %mul3A_352, %jit3A_353 : i32
    %ne3A_371 = arith.constant 0 : i32
    %ne3A_372 = arith.cmpi ne, %rem3A_370, %ne3A_371 : i32
    %and3A_373 = arith.andi %ne3A_369, %ne3A_372 : i1
    %sub3A_374 = arith.constant 1 : i32
    %sub3A_375 = arith.subi %div3A_354, %sub3A_374 : i32
    %select_n3A_376 = arith.select %and3A_373, %sub3A_375, %div3A_354 : i32
    %mul3A_377 = arith.constant 16384 : i32
    %mul3A_378 = arith.muli %select_n3A_376, %mul3A_377 : i32
    %sub3A_379 = arith.subi %mul3A_352, %mul3A_378 : i32
    %dma_wait3A_380 = arith.constant 6 : i32
    %dma_wait3A_381 = arith.constant 0 : i32
    %dma_wait3A_382 = tpu.memref_slice %arg5[%dma_wait3A_380, %dma_wait3A_381] : memref<13x1024xi32, #tpu.memory_space<vmem>> -> memref<1x1024xi32, #tpu.memory_space<vmem>>
    %dma_wait3A_383 = tpu.memref_squeeze %dma_wait3A_382 : memref<1x1024xi32, #tpu.memory_space<vmem>> -> memref<1024xi32, #tpu.memory_space<vmem>>
    %dma_wait3A_384 = arith.constant 0 : i32
    %dma_wait3A_385 = arith.constant 0 : i32
    %dma_wait3A_386 = tpu.memref_slice %arg3[%dma_wait3A_384, %dma_wait3A_385] : memref<1000000x32xf32, #tpu.memory_space<hbm>> -> memref<1000000x32xf32, #tpu.memory_space<hbm>>
    tpu.wait_indirect_dma semaphore(%arg8 : memref<!tpu.dma_semaphore, #tpu.memory_space<semaphore_mem>>) src(%dma_wait3A_386 : memref<1000000x32xf32, #tpu.memory_space<hbm>>) dst(%arg6 : memref<1024x32xf32, #tpu.memory_space<vmem>>)
    %dma_start3A_387 = arith.constant 0 : i32
    %dma_start3A_388 = tpu.memref_slice %arg4[%sub3A_379, %select_n3A_376, %dma_start3A_387] : memref<16384x32x128xf32, #tpu.memory_space<hbm>> -> memref<1024x1x32xf32, #tpu.memory_space<hbm>>
    %dma_start3A_389 = tpu.memref_squeeze %dma_start3A_388 : memref<1024x1x32xf32, #tpu.memory_space<hbm>> -> memref<1024x32xf32, #tpu.memory_space<hbm>>
    %dma_start3A_390 = arith.constant 0 : i32
    %dma_start3A_391 = tpu.memref_slice %arg4[%sub3A_379, %select_n3A_376, %dma_start3A_390] : memref<16384x32x128xf32, #tpu.memory_space<hbm>> -> memref<1024x1x32xf32, #tpu.memory_space<hbm>>
    %dma_start3A_392 = tpu.memref_squeeze %dma_start3A_391 : memref<1024x1x32xf32, #tpu.memory_space<hbm>> -> memref<1024x32xf32, #tpu.memory_space<hbm>>
    tpu.enqueue_dma source(%arg6 : memref<1024x32xf32, #tpu.memory_space<vmem>>) target(%dma_start3A_392 : memref<1024x32xf32, #tpu.memory_space<hbm>>) target_semaphore(%arg10 : memref<!tpu.dma_semaphore, #tpu.memory_space<semaphore_mem>>)
    %dma_wait3A_393 = arith.constant 0 : i32
    %dma_wait3A_394 = tpu.memref_slice %arg4[%sub3A_379, %select_n3A_376, %dma_wait3A_393] : memref<16384x32x128xf32, #tpu.memory_space<hbm>> -> memref<1024x1x32xf32, #tpu.memory_space<hbm>>
    %dma_wait3A_395 = tpu.memref_squeeze %dma_wait3A_394 : memref<1024x1x32xf32, #tpu.memory_space<hbm>> -> memref<1024x32xf32, #tpu.memory_space<hbm>>
    %dma_wait3A_396 = arith.constant 0 : i32
    %dma_wait3A_397 = tpu.memref_slice %arg4[%sub3A_379, %select_n3A_376, %dma_wait3A_396] : memref<16384x32x128xf32, #tpu.memory_space<hbm>> -> memref<1024x1x32xf32, #tpu.memory_space<hbm>>
    %dma_wait3A_398 = tpu.memref_squeeze %dma_wait3A_397 : memref<1024x1x32xf32, #tpu.memory_space<hbm>> -> memref<1024x32xf32, #tpu.memory_space<hbm>>
    tpu.wait_dma2 semaphore(%arg10 : memref<!tpu.dma_semaphore, #tpu.memory_space<semaphore_mem>>) src(%arg6 : memref<1024x32xf32, #tpu.memory_space<vmem>>) dst(%dma_wait3A_398 : memref<1024x32xf32, #tpu.memory_space<hbm>>)
    %dma_start3A_399 = arith.constant 8 : i32
    %dma_start3A_400 = arith.constant 0 : i32
    %dma_start3A_401 = tpu.memref_slice %arg5[%dma_start3A_399, %dma_start3A_400] : memref<13x1024xi32, #tpu.memory_space<vmem>> -> memref<1x1024xi32, #tpu.memory_space<vmem>>
    %dma_start3A_402 = tpu.memref_squeeze %dma_start3A_401 : memref<1x1024xi32, #tpu.memory_space<vmem>> -> memref<1024xi32, #tpu.memory_space<vmem>>
    %dma_start3A_403 = arith.constant 0 : i32
    %dma_start3A_404 = arith.constant 0 : i32
    %dma_start3A_405 = tpu.memref_slice %arg3[%dma_start3A_403, %dma_start3A_404] : memref<1000000x32xf32, #tpu.memory_space<hbm>> -> memref<1000000x32xf32, #tpu.memory_space<hbm>>
    tpu.enqueue_indirect_dma source(%dma_start3A_405 : memref<1000000x32xf32, #tpu.memory_space<hbm>>) target(%arg6 : memref<1024x32xf32, #tpu.memory_space<vmem>>) offsets(%dma_start3A_402 : memref<1024xi32, #tpu.memory_space<vmem>>) semaphore(%arg8 : memref<!tpu.dma_semaphore, #tpu.memory_space<semaphore_mem>>)
    %add3A_406 = arith.constant 7 : i32
    %add3A_407 = arith.addi %mul3A_2, %add3A_406 : i32
    %mul3A_408 = arith.constant 1024 : i32
    %mul3A_409 = arith.muli %add3A_407, %mul3A_408 : i32
    %jit3A_410 = arith.constant 16384 : i32
    %div3A_411 = arith.divsi %mul3A_409, %jit3A_410 : i32
    %sign3A_412 = arith.constant 0 : i32
    %sign3A_413 = arith.cmpi sgt, %mul3A_409, %sign3A_412 : i32
    %sign3A_414 = arith.extui %sign3A_413 : i1 to i32
    %sign3A_415 = arith.constant 0 : i32
    %sign3A_416 = arith.cmpi slt, %mul3A_409, %sign3A_415 : i32
    %sign3A_417 = arith.extui %sign3A_416 : i1 to i32
    %sign3A_418 = arith.subi %sign3A_414, %sign3A_417 : i32
    %sign3A_419 = arith.constant 0 : i32
    %sign3A_420 = arith.cmpi sgt, %jit3A_410, %sign3A_419 : i32
    %sign3A_421 = arith.extui %sign3A_420 : i1 to i32
    %sign3A_422 = arith.constant 0 : i32
    %sign3A_423 = arith.cmpi slt, %jit3A_410, %sign3A_422 : i32
    %sign3A_424 = arith.extui %sign3A_423 : i1 to i32
    %sign3A_425 = arith.subi %sign3A_421, %sign3A_424 : i32
    %ne3A_426 = arith.cmpi ne, %sign3A_418, %sign3A_425 : i32
    %rem3A_427 = arith.remsi %mul3A_409, %jit3A_410 : i32
    %ne3A_428 = arith.constant 0 : i32
    %ne3A_429 = arith.cmpi ne, %rem3A_427, %ne3A_428 : i32
    %and3A_430 = arith.andi %ne3A_426, %ne3A_429 : i1
    %sub3A_431 = arith.constant 1 : i32
    %sub3A_432 = arith.subi %div3A_411, %sub3A_431 : i32
    %select_n3A_433 = arith.select %and3A_430, %sub3A_432, %div3A_411 : i32
    %mul3A_434 = arith.constant 16384 : i32
    %mul3A_435 = arith.muli %select_n3A_433, %mul3A_434 : i32
    %sub3A_436 = arith.subi %mul3A_409, %mul3A_435 : i32
    %dma_wait3A_437 = arith.constant 7 : i32
    %dma_wait3A_438 = arith.constant 0 : i32
    %dma_wait3A_439 = tpu.memref_slice %arg5[%dma_wait3A_437, %dma_wait3A_438] : memref<13x1024xi32, #tpu.memory_space<vmem>> -> memref<1x1024xi32, #tpu.memory_space<vmem>>
    %dma_wait3A_440 = tpu.memref_squeeze %dma_wait3A_439 : memref<1x1024xi32, #tpu.memory_space<vmem>> -> memref<1024xi32, #tpu.memory_space<vmem>>
    %dma_wait3A_441 = arith.constant 0 : i32
    %dma_wait3A_442 = arith.constant 0 : i32
    %dma_wait3A_443 = tpu.memref_slice %arg3[%dma_wait3A_441, %dma_wait3A_442] : memref<1000000x32xf32, #tpu.memory_space<hbm>> -> memref<1000000x32xf32, #tpu.memory_space<hbm>>
    tpu.wait_indirect_dma semaphore(%arg9 : memref<!tpu.dma_semaphore, #tpu.memory_space<semaphore_mem>>) src(%dma_wait3A_443 : memref<1000000x32xf32, #tpu.memory_space<hbm>>) dst(%arg7 : memref<1024x32xf32, #tpu.memory_space<vmem>>)
    %dma_start3A_444 = arith.constant 0 : i32
    %dma_start3A_445 = tpu.memref_slice %arg4[%sub3A_436, %select_n3A_433, %dma_start3A_444] : memref<16384x32x128xf32, #tpu.memory_space<hbm>> -> memref<1024x1x32xf32, #tpu.memory_space<hbm>>
    %dma_start3A_446 = tpu.memref_squeeze %dma_start3A_445 : memref<1024x1x32xf32, #tpu.memory_space<hbm>> -> memref<1024x32xf32, #tpu.memory_space<hbm>>
    %dma_start3A_447 = arith.constant 0 : i32
    %dma_start3A_448 = tpu.memref_slice %arg4[%sub3A_436, %select_n3A_433, %dma_start3A_447] : memref<16384x32x128xf32, #tpu.memory_space<hbm>> -> memref<1024x1x32xf32, #tpu.memory_space<hbm>>
    %dma_start3A_449 = tpu.memref_squeeze %dma_start3A_448 : memref<1024x1x32xf32, #tpu.memory_space<hbm>> -> memref<1024x32xf32, #tpu.memory_space<hbm>>
    tpu.enqueue_dma source(%arg7 : memref<1024x32xf32, #tpu.memory_space<vmem>>) target(%dma_start3A_449 : memref<1024x32xf32, #tpu.memory_space<hbm>>) target_semaphore(%arg11 : memref<!tpu.dma_semaphore, #tpu.memory_space<semaphore_mem>>)
    %dma_wait3A_450 = arith.constant 0 : i32
    %dma_wait3A_451 = tpu.memref_slice %arg4[%sub3A_436, %select_n3A_433, %dma_wait3A_450] : memref<16384x32x128xf32, #tpu.memory_space<hbm>> -> memref<1024x1x32xf32, #tpu.memory_space<hbm>>
    %dma_wait3A_452 = tpu.memref_squeeze %dma_wait3A_451 : memref<1024x1x32xf32, #tpu.memory_space<hbm>> -> memref<1024x32xf32, #tpu.memory_space<hbm>>
    %dma_wait3A_453 = arith.constant 0 : i32
    %dma_wait3A_454 = tpu.memref_slice %arg4[%sub3A_436, %select_n3A_433, %dma_wait3A_453] : memref<16384x32x128xf32, #tpu.memory_space<hbm>> -> memref<1024x1x32xf32, #tpu.memory_space<hbm>>
    %dma_wait3A_455 = tpu.memref_squeeze %dma_wait3A_454 : memref<1024x1x32xf32, #tpu.memory_space<hbm>> -> memref<1024x32xf32, #tpu.memory_space<hbm>>
    tpu.wait_dma2 semaphore(%arg11 : memref<!tpu.dma_semaphore, #tpu.memory_space<semaphore_mem>>) src(%arg7 : memref<1024x32xf32, #tpu.memory_space<vmem>>) dst(%dma_wait3A_455 : memref<1024x32xf32, #tpu.memory_space<hbm>>)
    %dma_start3A_456 = arith.constant 9 : i32
    %dma_start3A_457 = arith.constant 0 : i32
    %dma_start3A_458 = tpu.memref_slice %arg5[%dma_start3A_456, %dma_start3A_457] : memref<13x1024xi32, #tpu.memory_space<vmem>> -> memref<1x1024xi32, #tpu.memory_space<vmem>>
    %dma_start3A_459 = tpu.memref_squeeze %dma_start3A_458 : memref<1x1024xi32, #tpu.memory_space<vmem>> -> memref<1024xi32, #tpu.memory_space<vmem>>
    %dma_start3A_460 = arith.constant 0 : i32
    %dma_start3A_461 = arith.constant 0 : i32
    %dma_start3A_462 = tpu.memref_slice %arg3[%dma_start3A_460, %dma_start3A_461] : memref<1000000x32xf32, #tpu.memory_space<hbm>> -> memref<1000000x32xf32, #tpu.memory_space<hbm>>
    tpu.enqueue_indirect_dma source(%dma_start3A_462 : memref<1000000x32xf32, #tpu.memory_space<hbm>>) target(%arg7 : memref<1024x32xf32, #tpu.memory_space<vmem>>) offsets(%dma_start3A_459 : memref<1024xi32, #tpu.memory_space<vmem>>) semaphore(%arg9 : memref<!tpu.dma_semaphore, #tpu.memory_space<semaphore_mem>>)
    %add3A_463 = arith.constant 8 : i32
    %add3A_464 = arith.addi %mul3A_2, %add3A_463 : i32
    %mul3A_465 = arith.constant 1024 : i32
    %mul3A_466 = arith.muli %add3A_464, %mul3A_465 : i32
    %jit3A_467 = arith.constant 16384 : i32
    %div3A_468 = arith.divsi %mul3A_466, %jit3A_467 : i32
    %sign3A_469 = arith.constant 0 : i32
    %sign3A_470 = arith.cmpi sgt, %mul3A_466, %sign3A_469 : i32
    %sign3A_471 = arith.extui %sign3A_470 : i1 to i32
    %sign3A_472 = arith.constant 0 : i32
    %sign3A_473 = arith.cmpi slt, %mul3A_466, %sign3A_472 : i32
    %sign3A_474 = arith.extui %sign3A_473 : i1 to i32
    %sign3A_475 = arith.subi %sign3A_471, %sign3A_474 : i32
    %sign3A_476 = arith.constant 0 : i32
    %sign3A_477 = arith.cmpi sgt, %jit3A_467, %sign3A_476 : i32
    %sign3A_478 = arith.extui %sign3A_477 : i1 to i32
    %sign3A_479 = arith.constant 0 : i32
    %sign3A_480 = arith.cmpi slt, %jit3A_467, %sign3A_479 : i32
    %sign3A_481 = arith.extui %sign3A_480 : i1 to i32
    %sign3A_482 = arith.subi %sign3A_478, %sign3A_481 : i32
    %ne3A_483 = arith.cmpi ne, %sign3A_475, %sign3A_482 : i32
    %rem3A_484 = arith.remsi %mul3A_466, %jit3A_467 : i32
    %ne3A_485 = arith.constant 0 : i32
    %ne3A_486 = arith.cmpi ne, %rem3A_484, %ne3A_485 : i32
    %and3A_487 = arith.andi %ne3A_483, %ne3A_486 : i1
    %sub3A_488 = arith.constant 1 : i32
    %sub3A_489 = arith.subi %div3A_468, %sub3A_488 : i32
    %select_n3A_490 = arith.select %and3A_487, %sub3A_489, %div3A_468 : i32
    %mul3A_491 = arith.constant 16384 : i32
    %mul3A_492 = arith.muli %select_n3A_490, %mul3A_491 : i32
    %sub3A_493 = arith.subi %mul3A_466, %mul3A_492 : i32
    %dma_wait3A_494 = arith.constant 8 : i32
    %dma_wait3A_495 = arith.constant 0 : i32
    %dma_wait3A_496 = tpu.memref_slice %arg5[%dma_wait3A_494, %dma_wait3A_495] : memref<13x1024xi32, #tpu.memory_space<vmem>> -> memref<1x1024xi32, #tpu.memory_space<vmem>>
    %dma_wait3A_497 = tpu.memref_squeeze %dma_wait3A_496 : memref<1x1024xi32, #tpu.memory_space<vmem>> -> memref<1024xi32, #tpu.memory_space<vmem>>
    %dma_wait3A_498 = arith.constant 0 : i32
    %dma_wait3A_499 = arith.constant 0 : i32
    %dma_wait3A_500 = tpu.memref_slice %arg3[%dma_wait3A_498, %dma_wait3A_499] : memref<1000000x32xf32, #tpu.memory_space<hbm>> -> memref<1000000x32xf32, #tpu.memory_space<hbm>>
    tpu.wait_indirect_dma semaphore(%arg8 : memref<!tpu.dma_semaphore, #tpu.memory_space<semaphore_mem>>) src(%dma_wait3A_500 : memref<1000000x32xf32, #tpu.memory_space<hbm>>) dst(%arg6 : memref<1024x32xf32, #tpu.memory_space<vmem>>)
    %dma_start3A_501 = arith.constant 0 : i32
    %dma_start3A_502 = tpu.memref_slice %arg4[%sub3A_493, %select_n3A_490, %dma_start3A_501] : memref<16384x32x128xf32, #tpu.memory_space<hbm>> -> memref<1024x1x32xf32, #tpu.memory_space<hbm>>
    %dma_start3A_503 = tpu.memref_squeeze %dma_start3A_502 : memref<1024x1x32xf32, #tpu.memory_space<hbm>> -> memref<1024x32xf32, #tpu.memory_space<hbm>>
    %dma_start3A_504 = arith.constant 0 : i32
    %dma_start3A_505 = tpu.memref_slice %arg4[%sub3A_493, %select_n3A_490, %dma_start3A_504] : memref<16384x32x128xf32, #tpu.memory_space<hbm>> -> memref<1024x1x32xf32, #tpu.memory_space<hbm>>
    %dma_start3A_506 = tpu.memref_squeeze %dma_start3A_505 : memref<1024x1x32xf32, #tpu.memory_space<hbm>> -> memref<1024x32xf32, #tpu.memory_space<hbm>>
    tpu.enqueue_dma source(%arg6 : memref<1024x32xf32, #tpu.memory_space<vmem>>) target(%dma_start3A_506 : memref<1024x32xf32, #tpu.memory_space<hbm>>) target_semaphore(%arg10 : memref<!tpu.dma_semaphore, #tpu.memory_space<semaphore_mem>>)
    %dma_wait3A_507 = arith.constant 0 : i32
    %dma_wait3A_508 = tpu.memref_slice %arg4[%sub3A_493, %select_n3A_490, %dma_wait3A_507] : memref<16384x32x128xf32, #tpu.memory_space<hbm>> -> memref<1024x1x32xf32, #tpu.memory_space<hbm>>
    %dma_wait3A_509 = tpu.memref_squeeze %dma_wait3A_508 : memref<1024x1x32xf32, #tpu.memory_space<hbm>> -> memref<1024x32xf32, #tpu.memory_space<hbm>>
    %dma_wait3A_510 = arith.constant 0 : i32
    %dma_wait3A_511 = tpu.memref_slice %arg4[%sub3A_493, %select_n3A_490, %dma_wait3A_510] : memref<16384x32x128xf32, #tpu.memory_space<hbm>> -> memref<1024x1x32xf32, #tpu.memory_space<hbm>>
    %dma_wait3A_512 = tpu.memref_squeeze %dma_wait3A_511 : memref<1024x1x32xf32, #tpu.memory_space<hbm>> -> memref<1024x32xf32, #tpu.memory_space<hbm>>
    tpu.wait_dma2 semaphore(%arg10 : memref<!tpu.dma_semaphore, #tpu.memory_space<semaphore_mem>>) src(%arg6 : memref<1024x32xf32, #tpu.memory_space<vmem>>) dst(%dma_wait3A_512 : memref<1024x32xf32, #tpu.memory_space<hbm>>)
    %dma_start3A_513 = arith.constant 10 : i32
    %dma_start3A_514 = arith.constant 0 : i32
    %dma_start3A_515 = tpu.memref_slice %arg5[%dma_start3A_513, %dma_start3A_514] : memref<13x1024xi32, #tpu.memory_space<vmem>> -> memref<1x1024xi32, #tpu.memory_space<vmem>>
    %dma_start3A_516 = tpu.memref_squeeze %dma_start3A_515 : memref<1x1024xi32, #tpu.memory_space<vmem>> -> memref<1024xi32, #tpu.memory_space<vmem>>
    %dma_start3A_517 = arith.constant 0 : i32
    %dma_start3A_518 = arith.constant 0 : i32
    %dma_start3A_519 = tpu.memref_slice %arg3[%dma_start3A_517, %dma_start3A_518] : memref<1000000x32xf32, #tpu.memory_space<hbm>> -> memref<1000000x32xf32, #tpu.memory_space<hbm>>
    tpu.enqueue_indirect_dma source(%dma_start3A_519 : memref<1000000x32xf32, #tpu.memory_space<hbm>>) target(%arg6 : memref<1024x32xf32, #tpu.memory_space<vmem>>) offsets(%dma_start3A_516 : memref<1024xi32, #tpu.memory_space<vmem>>) semaphore(%arg8 : memref<!tpu.dma_semaphore, #tpu.memory_space<semaphore_mem>>)
    %add3A_520 = arith.constant 9 : i32
    %add3A_521 = arith.addi %mul3A_2, %add3A_520 : i32
    %mul3A_522 = arith.constant 1024 : i32
    %mul3A_523 = arith.muli %add3A_521, %mul3A_522 : i32
    %jit3A_524 = arith.constant 16384 : i32
    %div3A_525 = arith.divsi %mul3A_523, %jit3A_524 : i32
    %sign3A_526 = arith.constant 0 : i32
    %sign3A_527 = arith.cmpi sgt, %mul3A_523, %sign3A_526 : i32
    %sign3A_528 = arith.extui %sign3A_527 : i1 to i32
    %sign3A_529 = arith.constant 0 : i32
    %sign3A_530 = arith.cmpi slt, %mul3A_523, %sign3A_529 : i32
    %sign3A_531 = arith.extui %sign3A_530 : i1 to i32
    %sign3A_532 = arith.subi %sign3A_528, %sign3A_531 : i32
    %sign3A_533 = arith.constant 0 : i32
    %sign3A_534 = arith.cmpi sgt, %jit3A_524, %sign3A_533 : i32
    %sign3A_535 = arith.extui %sign3A_534 : i1 to i32
    %sign3A_536 = arith.constant 0 : i32
    %sign3A_537 = arith.cmpi slt, %jit3A_524, %sign3A_536 : i32
    %sign3A_538 = arith.extui %sign3A_537 : i1 to i32
    %sign3A_539 = arith.subi %sign3A_535, %sign3A_538 : i32
    %ne3A_540 = arith.cmpi ne, %sign3A_532, %sign3A_539 : i32
    %rem3A_541 = arith.remsi %mul3A_523, %jit3A_524 : i32
    %ne3A_542 = arith.constant 0 : i32
    %ne3A_543 = arith.cmpi ne, %rem3A_541, %ne3A_542 : i32
    %and3A_544 = arith.andi %ne3A_540, %ne3A_543 : i1
    %sub3A_545 = arith.constant 1 : i32
    %sub3A_546 = arith.subi %div3A_525, %sub3A_545 : i32
    %select_n3A_547 = arith.select %and3A_544, %sub3A_546, %div3A_525 : i32
    %mul3A_548 = arith.constant 16384 : i32
    %mul3A_549 = arith.muli %select_n3A_547, %mul3A_548 : i32
    %sub3A_550 = arith.subi %mul3A_523, %mul3A_549 : i32
    %dma_wait3A_551 = arith.constant 9 : i32
    %dma_wait3A_552 = arith.constant 0 : i32
    %dma_wait3A_553 = tpu.memref_slice %arg5[%dma_wait3A_551, %dma_wait3A_552] : memref<13x1024xi32, #tpu.memory_space<vmem>> -> memref<1x1024xi32, #tpu.memory_space<vmem>>
    %dma_wait3A_554 = tpu.memref_squeeze %dma_wait3A_553 : memref<1x1024xi32, #tpu.memory_space<vmem>> -> memref<1024xi32, #tpu.memory_space<vmem>>
    %dma_wait3A_555 = arith.constant 0 : i32
    %dma_wait3A_556 = arith.constant 0 : i32
    %dma_wait3A_557 = tpu.memref_slice %arg3[%dma_wait3A_555, %dma_wait3A_556] : memref<1000000x32xf32, #tpu.memory_space<hbm>> -> memref<1000000x32xf32, #tpu.memory_space<hbm>>
    tpu.wait_indirect_dma semaphore(%arg9 : memref<!tpu.dma_semaphore, #tpu.memory_space<semaphore_mem>>) src(%dma_wait3A_557 : memref<1000000x32xf32, #tpu.memory_space<hbm>>) dst(%arg7 : memref<1024x32xf32, #tpu.memory_space<vmem>>)
    %dma_start3A_558 = arith.constant 0 : i32
    %dma_start3A_559 = tpu.memref_slice %arg4[%sub3A_550, %select_n3A_547, %dma_start3A_558] : memref<16384x32x128xf32, #tpu.memory_space<hbm>> -> memref<1024x1x32xf32, #tpu.memory_space<hbm>>
    %dma_start3A_560 = tpu.memref_squeeze %dma_start3A_559 : memref<1024x1x32xf32, #tpu.memory_space<hbm>> -> memref<1024x32xf32, #tpu.memory_space<hbm>>
    %dma_start3A_561 = arith.constant 0 : i32
    %dma_start3A_562 = tpu.memref_slice %arg4[%sub3A_550, %select_n3A_547, %dma_start3A_561] : memref<16384x32x128xf32, #tpu.memory_space<hbm>> -> memref<1024x1x32xf32, #tpu.memory_space<hbm>>
    %dma_start3A_563 = tpu.memref_squeeze %dma_start3A_562 : memref<1024x1x32xf32, #tpu.memory_space<hbm>> -> memref<1024x32xf32, #tpu.memory_space<hbm>>
    tpu.enqueue_dma source(%arg7 : memref<1024x32xf32, #tpu.memory_space<vmem>>) target(%dma_start3A_563 : memref<1024x32xf32, #tpu.memory_space<hbm>>) target_semaphore(%arg11 : memref<!tpu.dma_semaphore, #tpu.memory_space<semaphore_mem>>)
    %dma_wait3A_564 = arith.constant 0 : i32
    %dma_wait3A_565 = tpu.memref_slice %arg4[%sub3A_550, %select_n3A_547, %dma_wait3A_564] : memref<16384x32x128xf32, #tpu.memory_space<hbm>> -> memref<1024x1x32xf32, #tpu.memory_space<hbm>>
    %dma_wait3A_566 = tpu.memref_squeeze %dma_wait3A_565 : memref<1024x1x32xf32, #tpu.memory_space<hbm>> -> memref<1024x32xf32, #tpu.memory_space<hbm>>
    %dma_wait3A_567 = arith.constant 0 : i32
    %dma_wait3A_568 = tpu.memref_slice %arg4[%sub3A_550, %select_n3A_547, %dma_wait3A_567] : memref<16384x32x128xf32, #tpu.memory_space<hbm>> -> memref<1024x1x32xf32, #tpu.memory_space<hbm>>
    %dma_wait3A_569 = tpu.memref_squeeze %dma_wait3A_568 : memref<1024x1x32xf32, #tpu.memory_space<hbm>> -> memref<1024x32xf32, #tpu.memory_space<hbm>>
    tpu.wait_dma2 semaphore(%arg11 : memref<!tpu.dma_semaphore, #tpu.memory_space<semaphore_mem>>) src(%arg7 : memref<1024x32xf32, #tpu.memory_space<vmem>>) dst(%dma_wait3A_569 : memref<1024x32xf32, #tpu.memory_space<hbm>>)
    %dma_start3A_570 = arith.constant 11 : i32
    %dma_start3A_571 = arith.constant 0 : i32
    %dma_start3A_572 = tpu.memref_slice %arg5[%dma_start3A_570, %dma_start3A_571] : memref<13x1024xi32, #tpu.memory_space<vmem>> -> memref<1x1024xi32, #tpu.memory_space<vmem>>
    %dma_start3A_573 = tpu.memref_squeeze %dma_start3A_572 : memref<1x1024xi32, #tpu.memory_space<vmem>> -> memref<1024xi32, #tpu.memory_space<vmem>>
    %dma_start3A_574 = arith.constant 0 : i32
    %dma_start3A_575 = arith.constant 0 : i32
    %dma_start3A_576 = tpu.memref_slice %arg3[%dma_start3A_574, %dma_start3A_575] : memref<1000000x32xf32, #tpu.memory_space<hbm>> -> memref<1000000x32xf32, #tpu.memory_space<hbm>>
    tpu.enqueue_indirect_dma source(%dma_start3A_576 : memref<1000000x32xf32, #tpu.memory_space<hbm>>) target(%arg7 : memref<1024x32xf32, #tpu.memory_space<vmem>>) offsets(%dma_start3A_573 : memref<1024xi32, #tpu.memory_space<vmem>>) semaphore(%arg9 : memref<!tpu.dma_semaphore, #tpu.memory_space<semaphore_mem>>)
    %add3A_577 = arith.constant 10 : i32
    %add3A_578 = arith.addi %mul3A_2, %add3A_577 : i32
    %mul3A_579 = arith.constant 1024 : i32
    %mul3A_580 = arith.muli %add3A_578, %mul3A_579 : i32
    %jit3A_581 = arith.constant 16384 : i32
    %div3A_582 = arith.divsi %mul3A_580, %jit3A_581 : i32
    %sign3A_583 = arith.constant 0 : i32
    %sign3A_584 = arith.cmpi sgt, %mul3A_580, %sign3A_583 : i32
    %sign3A_585 = arith.extui %sign3A_584 : i1 to i32
    %sign3A_586 = arith.constant 0 : i32
    %sign3A_587 = arith.cmpi slt, %mul3A_580, %sign3A_586 : i32
    %sign3A_588 = arith.extui %sign3A_587 : i1 to i32
    %sign3A_589 = arith.subi %sign3A_585, %sign3A_588 : i32
    %sign3A_590 = arith.constant 0 : i32
    %sign3A_591 = arith.cmpi sgt, %jit3A_581, %sign3A_590 : i32
    %sign3A_592 = arith.extui %sign3A_591 : i1 to i32
    %sign3A_593 = arith.constant 0 : i32
    %sign3A_594 = arith.cmpi slt, %jit3A_581, %sign3A_593 : i32
    %sign3A_595 = arith.extui %sign3A_594 : i1 to i32
    %sign3A_596 = arith.subi %sign3A_592, %sign3A_595 : i32
    %ne3A_597 = arith.cmpi ne, %sign3A_589, %sign3A_596 : i32
    %rem3A_598 = arith.remsi %mul3A_580, %jit3A_581 : i32
    %ne3A_599 = arith.constant 0 : i32
    %ne3A_600 = arith.cmpi ne, %rem3A_598, %ne3A_599 : i32
    %and3A_601 = arith.andi %ne3A_597, %ne3A_600 : i1
    %sub3A_602 = arith.constant 1 : i32
    %sub3A_603 = arith.subi %div3A_582, %sub3A_602 : i32
    %select_n3A_604 = arith.select %and3A_601, %sub3A_603, %div3A_582 : i32
    %mul3A_605 = arith.constant 16384 : i32
    %mul3A_606 = arith.muli %select_n3A_604, %mul3A_605 : i32
    %sub3A_607 = arith.subi %mul3A_580, %mul3A_606 : i32
    %dma_wait3A_608 = arith.constant 10 : i32
    %dma_wait3A_609 = arith.constant 0 : i32
    %dma_wait3A_610 = tpu.memref_slice %arg5[%dma_wait3A_608, %dma_wait3A_609] : memref<13x1024xi32, #tpu.memory_space<vmem>> -> memref<1x1024xi32, #tpu.memory_space<vmem>>
    %dma_wait3A_611 = tpu.memref_squeeze %dma_wait3A_610 : memref<1x1024xi32, #tpu.memory_space<vmem>> -> memref<1024xi32, #tpu.memory_space<vmem>>
    %dma_wait3A_612 = arith.constant 0 : i32
    %dma_wait3A_613 = arith.constant 0 : i32
    %dma_wait3A_614 = tpu.memref_slice %arg3[%dma_wait3A_612, %dma_wait3A_613] : memref<1000000x32xf32, #tpu.memory_space<hbm>> -> memref<1000000x32xf32, #tpu.memory_space<hbm>>
    tpu.wait_indirect_dma semaphore(%arg8 : memref<!tpu.dma_semaphore, #tpu.memory_space<semaphore_mem>>) src(%dma_wait3A_614 : memref<1000000x32xf32, #tpu.memory_space<hbm>>) dst(%arg6 : memref<1024x32xf32, #tpu.memory_space<vmem>>)
    %dma_start3A_615 = arith.constant 0 : i32
    %dma_start3A_616 = tpu.memref_slice %arg4[%sub3A_607, %select_n3A_604, %dma_start3A_615] : memref<16384x32x128xf32, #tpu.memory_space<hbm>> -> memref<1024x1x32xf32, #tpu.memory_space<hbm>>
    %dma_start3A_617 = tpu.memref_squeeze %dma_start3A_616 : memref<1024x1x32xf32, #tpu.memory_space<hbm>> -> memref<1024x32xf32, #tpu.memory_space<hbm>>
    %dma_start3A_618 = arith.constant 0 : i32
    %dma_start3A_619 = tpu.memref_slice %arg4[%sub3A_607, %select_n3A_604, %dma_start3A_618] : memref<16384x32x128xf32, #tpu.memory_space<hbm>> -> memref<1024x1x32xf32, #tpu.memory_space<hbm>>
    %dma_start3A_620 = tpu.memref_squeeze %dma_start3A_619 : memref<1024x1x32xf32, #tpu.memory_space<hbm>> -> memref<1024x32xf32, #tpu.memory_space<hbm>>
    tpu.enqueue_dma source(%arg6 : memref<1024x32xf32, #tpu.memory_space<vmem>>) target(%dma_start3A_620 : memref<1024x32xf32, #tpu.memory_space<hbm>>) target_semaphore(%arg10 : memref<!tpu.dma_semaphore, #tpu.memory_space<semaphore_mem>>)
    %dma_wait3A_621 = arith.constant 0 : i32
    %dma_wait3A_622 = tpu.memref_slice %arg4[%sub3A_607, %select_n3A_604, %dma_wait3A_621] : memref<16384x32x128xf32, #tpu.memory_space<hbm>> -> memref<1024x1x32xf32, #tpu.memory_space<hbm>>
    %dma_wait3A_623 = tpu.memref_squeeze %dma_wait3A_622 : memref<1024x1x32xf32, #tpu.memory_space<hbm>> -> memref<1024x32xf32, #tpu.memory_space<hbm>>
    %dma_wait3A_624 = arith.constant 0 : i32
    %dma_wait3A_625 = tpu.memref_slice %arg4[%sub3A_607, %select_n3A_604, %dma_wait3A_624] : memref<16384x32x128xf32, #tpu.memory_space<hbm>> -> memref<1024x1x32xf32, #tpu.memory_space<hbm>>
    %dma_wait3A_626 = tpu.memref_squeeze %dma_wait3A_625 : memref<1024x1x32xf32, #tpu.memory_space<hbm>> -> memref<1024x32xf32, #tpu.memory_space<hbm>>
    tpu.wait_dma2 semaphore(%arg10 : memref<!tpu.dma_semaphore, #tpu.memory_space<semaphore_mem>>) src(%arg6 : memref<1024x32xf32, #tpu.memory_space<vmem>>) dst(%dma_wait3A_626 : memref<1024x32xf32, #tpu.memory_space<hbm>>)
    %dma_start3A_627 = arith.constant 12 : i32
    %dma_start3A_628 = arith.constant 0 : i32
    %dma_start3A_629 = tpu.memref_slice %arg5[%dma_start3A_627, %dma_start3A_628] : memref<13x1024xi32, #tpu.memory_space<vmem>> -> memref<1x1024xi32, #tpu.memory_space<vmem>>
    %dma_start3A_630 = tpu.memref_squeeze %dma_start3A_629 : memref<1x1024xi32, #tpu.memory_space<vmem>> -> memref<1024xi32, #tpu.memory_space<vmem>>
    %dma_start3A_631 = arith.constant 0 : i32
    %dma_start3A_632 = arith.constant 0 : i32
    %dma_start3A_633 = tpu.memref_slice %arg3[%dma_start3A_631, %dma_start3A_632] : memref<1000000x32xf32, #tpu.memory_space<hbm>> -> memref<1000000x32xf32, #tpu.memory_space<hbm>>
    tpu.enqueue_indirect_dma source(%dma_start3A_633 : memref<1000000x32xf32, #tpu.memory_space<hbm>>) target(%arg6 : memref<1024x32xf32, #tpu.memory_space<vmem>>) offsets(%dma_start3A_630 : memref<1024xi32, #tpu.memory_space<vmem>>) semaphore(%arg8 : memref<!tpu.dma_semaphore, #tpu.memory_space<semaphore_mem>>)
    %add3A_634 = arith.constant 11 : i32
    %add3A_635 = arith.addi %mul3A_2, %add3A_634 : i32
    %mul3A_636 = arith.constant 1024 : i32
    %mul3A_637 = arith.muli %add3A_635, %mul3A_636 : i32
    %jit3A_638 = arith.constant 16384 : i32
    %div3A_639 = arith.divsi %mul3A_637, %jit3A_638 : i32
    %sign3A_640 = arith.constant 0 : i32
    %sign3A_641 = arith.cmpi sgt, %mul3A_637, %sign3A_640 : i32
    %sign3A_642 = arith.extui %sign3A_641 : i1 to i32
    %sign3A_643 = arith.constant 0 : i32
    %sign3A_644 = arith.cmpi slt, %mul3A_637, %sign3A_643 : i32
    %sign3A_645 = arith.extui %sign3A_644 : i1 to i32
    %sign3A_646 = arith.subi %sign3A_642, %sign3A_645 : i32
    %sign3A_647 = arith.constant 0 : i32
    %sign3A_648 = arith.cmpi sgt, %jit3A_638, %sign3A_647 : i32
    %sign3A_649 = arith.extui %sign3A_648 : i1 to i32
    %sign3A_650 = arith.constant 0 : i32
    %sign3A_651 = arith.cmpi slt, %jit3A_638, %sign3A_650 : i32
    %sign3A_652 = arith.extui %sign3A_651 : i1 to i32
    %sign3A_653 = arith.subi %sign3A_649, %sign3A_652 : i32
    %ne3A_654 = arith.cmpi ne, %sign3A_646, %sign3A_653 : i32
    %rem3A_655 = arith.remsi %mul3A_637, %jit3A_638 : i32
    %ne3A_656 = arith.constant 0 : i32
    %ne3A_657 = arith.cmpi ne, %rem3A_655, %ne3A_656 : i32
    %and3A_658 = arith.andi %ne3A_654, %ne3A_657 : i1
    %sub3A_659 = arith.constant 1 : i32
    %sub3A_660 = arith.subi %div3A_639, %sub3A_659 : i32
    %select_n3A_661 = arith.select %and3A_658, %sub3A_660, %div3A_639 : i32
    %mul3A_662 = arith.constant 16384 : i32
    %mul3A_663 = arith.muli %select_n3A_661, %mul3A_662 : i32
    %sub3A_664 = arith.subi %mul3A_637, %mul3A_663 : i32
    %dma_wait3A_665 = arith.constant 11 : i32
    %dma_wait3A_666 = arith.constant 0 : i32
    %dma_wait3A_667 = tpu.memref_slice %arg5[%dma_wait3A_665, %dma_wait3A_666] : memref<13x1024xi32, #tpu.memory_space<vmem>> -> memref<1x1024xi32, #tpu.memory_space<vmem>>
    %dma_wait3A_668 = tpu.memref_squeeze %dma_wait3A_667 : memref<1x1024xi32, #tpu.memory_space<vmem>> -> memref<1024xi32, #tpu.memory_space<vmem>>
    %dma_wait3A_669 = arith.constant 0 : i32
    %dma_wait3A_670 = arith.constant 0 : i32
    %dma_wait3A_671 = tpu.memref_slice %arg3[%dma_wait3A_669, %dma_wait3A_670] : memref<1000000x32xf32, #tpu.memory_space<hbm>> -> memref<1000000x32xf32, #tpu.memory_space<hbm>>
    tpu.wait_indirect_dma semaphore(%arg9 : memref<!tpu.dma_semaphore, #tpu.memory_space<semaphore_mem>>) src(%dma_wait3A_671 : memref<1000000x32xf32, #tpu.memory_space<hbm>>) dst(%arg7 : memref<1024x32xf32, #tpu.memory_space<vmem>>)
    %dma_start3A_672 = arith.constant 0 : i32
    %dma_start3A_673 = tpu.memref_slice %arg4[%sub3A_664, %select_n3A_661, %dma_start3A_672] : memref<16384x32x128xf32, #tpu.memory_space<hbm>> -> memref<1024x1x32xf32, #tpu.memory_space<hbm>>
    %dma_start3A_674 = tpu.memref_squeeze %dma_start3A_673 : memref<1024x1x32xf32, #tpu.memory_space<hbm>> -> memref<1024x32xf32, #tpu.memory_space<hbm>>
    %dma_start3A_675 = arith.constant 0 : i32
    %dma_start3A_676 = tpu.memref_slice %arg4[%sub3A_664, %select_n3A_661, %dma_start3A_675] : memref<16384x32x128xf32, #tpu.memory_space<hbm>> -> memref<1024x1x32xf32, #tpu.memory_space<hbm>>
    %dma_start3A_677 = tpu.memref_squeeze %dma_start3A_676 : memref<1024x1x32xf32, #tpu.memory_space<hbm>> -> memref<1024x32xf32, #tpu.memory_space<hbm>>
    tpu.enqueue_dma source(%arg7 : memref<1024x32xf32, #tpu.memory_space<vmem>>) target(%dma_start3A_677 : memref<1024x32xf32, #tpu.memory_space<hbm>>) target_semaphore(%arg11 : memref<!tpu.dma_semaphore, #tpu.memory_space<semaphore_mem>>)
    %add3A_678 = arith.constant 12 : i32
    %add3A_679 = arith.addi %mul3A_2, %add3A_678 : i32
    %mul3A_680 = arith.constant 1024 : i32
    %mul3A_681 = arith.muli %add3A_679, %mul3A_680 : i32
    %jit3A_682 = arith.constant 16384 : i32
    %div3A_683 = arith.divsi %mul3A_681, %jit3A_682 : i32
    %sign3A_684 = arith.constant 0 : i32
    %sign3A_685 = arith.cmpi sgt, %mul3A_681, %sign3A_684 : i32
    %sign3A_686 = arith.extui %sign3A_685 : i1 to i32
    %sign3A_687 = arith.constant 0 : i32
    %sign3A_688 = arith.cmpi slt, %mul3A_681, %sign3A_687 : i32
    %sign3A_689 = arith.extui %sign3A_688 : i1 to i32
    %sign3A_690 = arith.subi %sign3A_686, %sign3A_689 : i32
    %sign3A_691 = arith.constant 0 : i32
    %sign3A_692 = arith.cmpi sgt, %jit3A_682, %sign3A_691 : i32
    %sign3A_693 = arith.extui %sign3A_692 : i1 to i32
    %sign3A_694 = arith.constant 0 : i32
    %sign3A_695 = arith.cmpi slt, %jit3A_682, %sign3A_694 : i32
    %sign3A_696 = arith.extui %sign3A_695 : i1 to i32
    %sign3A_697 = arith.subi %sign3A_693, %sign3A_696 : i32
    %ne3A_698 = arith.cmpi ne, %sign3A_690, %sign3A_697 : i32
    %rem3A_699 = arith.remsi %mul3A_681, %jit3A_682 : i32
    %ne3A_700 = arith.constant 0 : i32
    %ne3A_701 = arith.cmpi ne, %rem3A_699, %ne3A_700 : i32
    %and3A_702 = arith.andi %ne3A_698, %ne3A_701 : i1
    %sub3A_703 = arith.constant 1 : i32
    %sub3A_704 = arith.subi %div3A_683, %sub3A_703 : i32
    %select_n3A_705 = arith.select %and3A_702, %sub3A_704, %div3A_683 : i32
    %mul3A_706 = arith.constant 16384 : i32
    %mul3A_707 = arith.muli %select_n3A_705, %mul3A_706 : i32
    %sub3A_708 = arith.subi %mul3A_681, %mul3A_707 : i32
    %dma_wait3A_709 = arith.constant 12 : i32
    %dma_wait3A_710 = arith.constant 0 : i32
    %dma_wait3A_711 = tpu.memref_slice %arg5[%dma_wait3A_709, %dma_wait3A_710] : memref<13x1024xi32, #tpu.memory_space<vmem>> -> memref<1x1024xi32, #tpu.memory_space<vmem>>
    %dma_wait3A_712 = tpu.memref_squeeze %dma_wait3A_711 : memref<1x1024xi32, #tpu.memory_space<vmem>> -> memref<1024xi32, #tpu.memory_space<vmem>>
    %dma_wait3A_713 = arith.constant 0 : i32
    %dma_wait3A_714 = arith.constant 0 : i32
    %dma_wait3A_715 = tpu.memref_slice %arg3[%dma_wait3A_713, %dma_wait3A_714] : memref<1000000x32xf32, #tpu.memory_space<hbm>> -> memref<1000000x32xf32, #tpu.memory_space<hbm>>
    tpu.wait_indirect_dma semaphore(%arg8 : memref<!tpu.dma_semaphore, #tpu.memory_space<semaphore_mem>>) src(%dma_wait3A_715 : memref<1000000x32xf32, #tpu.memory_space<hbm>>) dst(%arg6 : memref<1024x32xf32, #tpu.memory_space<vmem>>)
    %dma_start3A_716 = arith.constant 0 : i32
    %dma_start3A_717 = tpu.memref_slice %arg4[%sub3A_708, %select_n3A_705, %dma_start3A_716] : memref<16384x32x128xf32, #tpu.memory_space<hbm>> -> memref<1024x1x32xf32, #tpu.memory_space<hbm>>
    %dma_start3A_718 = tpu.memref_squeeze %dma_start3A_717 : memref<1024x1x32xf32, #tpu.memory_space<hbm>> -> memref<1024x32xf32, #tpu.memory_space<hbm>>
    %dma_start3A_719 = arith.constant 0 : i32
    %dma_start3A_720 = tpu.memref_slice %arg4[%sub3A_708, %select_n3A_705, %dma_start3A_719] : memref<16384x32x128xf32, #tpu.memory_space<hbm>> -> memref<1024x1x32xf32, #tpu.memory_space<hbm>>
    %dma_start3A_721 = tpu.memref_squeeze %dma_start3A_720 : memref<1024x1x32xf32, #tpu.memory_space<hbm>> -> memref<1024x32xf32, #tpu.memory_space<hbm>>
    tpu.enqueue_dma source(%arg6 : memref<1024x32xf32, #tpu.memory_space<vmem>>) target(%dma_start3A_721 : memref<1024x32xf32, #tpu.memory_space<hbm>>) target_semaphore(%arg10 : memref<!tpu.dma_semaphore, #tpu.memory_space<semaphore_mem>>)
    %dma_wait3A_722 = arith.constant 0 : i32
    %dma_wait3A_723 = tpu.memref_slice %arg4[%sub3A_664, %select_n3A_661, %dma_wait3A_722] : memref<16384x32x128xf32, #tpu.memory_space<hbm>> -> memref<1024x1x32xf32, #tpu.memory_space<hbm>>
    %dma_wait3A_724 = tpu.memref_squeeze %dma_wait3A_723 : memref<1024x1x32xf32, #tpu.memory_space<hbm>> -> memref<1024x32xf32, #tpu.memory_space<hbm>>
    %dma_wait3A_725 = arith.constant 0 : i32
    %dma_wait3A_726 = tpu.memref_slice %arg4[%sub3A_664, %select_n3A_661, %dma_wait3A_725] : memref<16384x32x128xf32, #tpu.memory_space<hbm>> -> memref<1024x1x32xf32, #tpu.memory_space<hbm>>
    %dma_wait3A_727 = tpu.memref_squeeze %dma_wait3A_726 : memref<1024x1x32xf32, #tpu.memory_space<hbm>> -> memref<1024x32xf32, #tpu.memory_space<hbm>>
    tpu.wait_dma2 semaphore(%arg11 : memref<!tpu.dma_semaphore, #tpu.memory_space<semaphore_mem>>) src(%arg7 : memref<1024x32xf32, #tpu.memory_space<vmem>>) dst(%dma_wait3A_727 : memref<1024x32xf32, #tpu.memory_space<hbm>>)
    %dma_wait3A_728 = arith.constant 0 : i32
    %dma_wait3A_729 = tpu.memref_slice %arg4[%sub3A_708, %select_n3A_705, %dma_wait3A_728] : memref<16384x32x128xf32, #tpu.memory_space<hbm>> -> memref<1024x1x32xf32, #tpu.memory_space<hbm>>
    %dma_wait3A_730 = tpu.memref_squeeze %dma_wait3A_729 : memref<1024x1x32xf32, #tpu.memory_space<hbm>> -> memref<1024x32xf32, #tpu.memory_space<hbm>>
    %dma_wait3A_731 = arith.constant 0 : i32
    %dma_wait3A_732 = tpu.memref_slice %arg4[%sub3A_708, %select_n3A_705, %dma_wait3A_731] : memref<16384x32x128xf32, #tpu.memory_space<hbm>> -> memref<1024x1x32xf32, #tpu.memory_space<hbm>>
    %dma_wait3A_733 = tpu.memref_squeeze %dma_wait3A_732 : memref<1024x1x32xf32, #tpu.memory_space<hbm>> -> memref<1024x32xf32, #tpu.memory_space<hbm>>
    tpu.wait_dma2 semaphore(%arg10 : memref<!tpu.dma_semaphore, #tpu.memory_space<semaphore_mem>>) src(%arg6 : memref<1024x32xf32, #tpu.memory_space<vmem>>) dst(%dma_wait3A_733 : memref<1024x32xf32, #tpu.memory_space<hbm>>)
    return
  }
}

</mosaic_0001>

<sc_bundles>
// kernel: _gather.3.cloned.1.call-start
scs
__scs_entry_jumppad:
0x0: {  	(pc) =	sbr.rel $0x88, $3  }
0x1: {  	(tag) =	ssettag $0x0;
	lr =	simm.s32 $0x1  }
0x2: {  	[smem:$0x3F9F] =	sst lr;
	_ =	strace $0xD0000000  }
0x3: {  	_ = 	snop  }
0x4: {  	_ = 	snop  }
0x5: {  	_ = 	snop  }
0x6: {  	_ = 	snop  }
0x7: {  	_ = 	snop  }
__scs_overlays_trampoline_lowered:
0x8: {  	[smem:$0x3FAE] =	sst s0  }
0x9: {  	[smem:$0x3FAF] =	sst s1  }
0xa: {  	[smem:$0x3FB0] =	sst s2  }
0xb: {  	[smem:$0x3FB1] =	sst s3  }
0xc: {  	[smem:$0x3FB2] =	sst s4  }
0xd: {  	[smem:$0x3FB3] =	sst s5  }
0xe: {  	[smem:$0x3FB4] =	sst s6  }
0xf: {  	[smem:$0x3FB5] =	sst s7  }
0x10: {  	[smem:$0x3FB6] =	sst s8  }
0x11: {  	[smem:$0x3FB7] =	sst s9;
	s0 =	simm.s32 @!p0 $0x0  }
0x12: {  	s1 =	sld [smem:$0x3F9D];
	s0 =	simm.s32 @p0 $0x1  }
0x13: {  	[smem:$0x3FB8] =	sst s0;
	s0 =	simm.s32 @!p1 $0x0  }
0x14: {  	s2 =	sld [smem:$0x3F9C];
	s0 =	simm.s32 @p1 $0x1  }
0x15: {  	[smem:$0x3FB9] =	sst s0;
	s0 =	simm.s32 @!p2 $0x0  }
0x16: {  	s3 =	sld [smem:$0x3FDB];
	s0 =	simm.s32 @p2 $0x1  }
0x17: {  	s4 =	simm.s32 $0x1BF5;
	[smem:$0x3FBB] =	sst s0  }
0x18: {  	s0 =	sld [smem:$0x3F9E];
	_ =	swait.ge [sflag:s4], $0x0  }
0x19: {  	s7 =	sld [smem:$0x3F9F]  }
0x1a: {  	s8 =	sadd.s32 $0xFFFFE003, lr  }
0x1b: {  	s9 =	sadd.s32 $0xFFFFFEF7, lr;
	s5 =	simm.s32 $0xFFFFFFFF;
	p2 =	slt.u32 s8, $0xFFFFF086  }
0x1c: {  	p1 =	slt.u32 s9, $0xF7A;
	s5 =	simm.s32 @!p2 $0x0  }
0x1d: {  	s5 =	simm.s32 @p1 $0x1;
	p0 =	seq.s32 s7, s2  }
0x1e: {  	s7 =	smul.u32 @!p0 $0xF7A, s2;
	p2 =	seq.s32 @!p0 s5, $0x0  }
0x1f: {  	s9 =	smul.u32 $0xF7A, s1;
	s8 =	simm.s32 @!p0 $0x1BF5;
	p2 =	por !p2, p0  }
0x20: {  	[sflag:s8] =	ssyncset.s32 @!p0 $0xFFFFF086;
	s6 =	sadd.s32 @!p0 s3, s7;
	s7 =	simm.s32 @!p0 $0x108  }
0x21: {  	s3 =	sadd.s32 s3, s9;
	s6 =	sadd.s32 @!p0 $0x88, s6;
	s7 =	simm.s32 @p2 $0x1082  }
0x22: {  	[simem:s7], [sflag:s8] =	dma.local @!p0 [hbm:s6], $0xF7A  }
0x23: {  	s9 =	sor.u32 $0xD0000000, s2;
	s6 =	simm.s32 $0x108;
	_ =	swait.ge @!p0 [sflag:s8], $0x0  }
0x24: {  	s3 =	sadd.s32 $0x88, s3;
	s6 =	simm.s32 @!p1 $0x1082;
	[sflag:s4] =	ssyncset.s32 $0xFFFFF086  }
0x25: {  	[simem:s6], [sflag:s4] =	dma.local [hbm:s3], $0xF7A  }
0x26: {  	[smem:$0x3F9F] =	sst s1;
	(tag) =	ssettag s2;
	_ =	strace s9  }
0x27: {  	s1 =	sld [smem:$0x3FAF]  }
0x28: {  	s2 =	sld [smem:$0x3FB0]  }
0x29: {  	s4 =	sld [smem:$0x3FB2]  }
0x2a: {  	p0 =	seq.s32 s5, $0x0;
	s5 =	sld [smem:$0x3FB3]  }
0x2b: {  	s6 =	sld [smem:$0x3FB4]  }
0x2c: {  	s7 =	sld [smem:$0x3FB5]  }
0x2d: {  	s3 =	simm.s32 $0x108;
	s8 =	sld [smem:$0x3FB6]  }
0x2e: {  	s3 =	simm.s32 @!p0 $0x1082;
	s9 =	sld [smem:$0x3FB7]  }
0x2f: {  	lr =	sadd.s32 s0, s3;
	s0 =	sld [smem:$0x3FAE]  }
0x30: {  	s3 =	sld [smem:$0x3FB1]  }
0x31: {  	[smem:$0x3FBA] =	sst s10  }
0x32: {  	s10 =	sld [smem:$0x3FB8];
	_ =	sdelay $0x3  }
0x33: {  	p0 =	seq.s32 s10, $0x1;
	s10 =	sld [smem:$0x3FBA];
	_ =	sdelay $0x3  }
0x34: {  	[smem:$0x3FBA] =	sst s10  }
0x35: {  	s10 =	sld [smem:$0x3FB9];
	_ =	sdelay $0x3  }
0x36: {  	p1 =	seq.s32 s10, $0x1;
	s10 =	sld [smem:$0x3FBA];
	_ =	sdelay $0x3  }
0x37: {  	[smem:$0x3FBA] =	sst s10  }
0x38: {  	s10 =	sld [smem:$0x3FBB]  }
0x39: {  	_ = 	snop;
	(pc) =	sbr.ind lr, $3  }
0x3a: {  	_ = 	snop  }
0x3b: {  	_ = 	snop  }
0x3c: {  	p2 =	seq.s32 s10, $0x1;
	s10 =	sld [smem:$0x3FBA]  }
0x3d: {  	_ =	shalt  }
0x3e: {  	_ =	shalt  }
0x3f: {  	_ =	shalt  }
0x40: {  	_ =	shalt  }
0x41: {  	_ =	shalt  }
0x42: {  	_ =	shalt  }
0x43: {  	_ =	shalt  }
0x44: {  	_ =	shalt  }
0x45: {  	_ =	shalt  }
0x46: {  	_ =	shalt  }
0x47: {  	_ =	shalt  }
0x48: {  	_ =	shalt  }
0x49: {  	_ =	shalt  }
0x4a: {  	_ =	shalt  }
0x4b: {  	_ =	shalt  }
0x4c: {  	_ =	shalt  }
0x4d: {  	_ =	shalt  }
0x4e: {  	_ =	shalt  }
0x4f: {  	_ =	shalt  }
0x50: {  	_ =	shalt  }
0x51: {  	_ =	shalt  }
0x52: {  	_ =	shalt  }
0x53: {  	_ =	shalt  }
0x54: {  	_ =	shalt  }
0x55: {  	_ =	shalt  }
0x56: {  	_ =	shalt  }
0x57: {  	_ =	shalt  }
0x58: {  	_ =	shalt  }
0x59: {  	_ =	shalt  }
0x5a: {  	_ =	shalt  }
0x5b: {  	_ =	shalt  }
0x5c: {  	_ =	shalt  }
0x5d: {  	_ =	shalt  }
0x5e: {  	_ =	shalt  }
0x5f: {  	_ =	shalt  }
0x60: {  	_ =	shalt  }
0x61: {  	_ =	shalt  }
0x62: {  	_ =	shalt  }
0x63: {  	_ =	shalt  }
0x64: {  	_ =	shalt  }
0x65: {  	_ =	shalt  }
0x66: {  	_ =	shalt  }
0x67: {  	_ =	shalt  }
0x68: {  	_ =	shalt  }
0x69: {  	_ =	shalt  }
0x6a: {  	_ =	shalt  }
0x6b: {  	_ =	shalt  }
0x6c: {  	_ =	shalt  }
0x6d: {  	_ =	shalt  }
0x6e: {  	_ =	shalt  }
0x6f: {  	_ =	shalt  }
0x70: {  	_ =	shalt  }
0x71: {  	_ =	shalt  }
0x72: {  	_ =	shalt  }
0x73: {  	_ =	shalt  }
0x74: {  	_ =	shalt  }
0x75: {  	_ =	shalt  }
0x76: {  	_ =	shalt  }
0x77: {  	_ =	shalt  }
0x78: {  	_ =	shalt  }
0x79: {  	_ =	shalt  }
0x7a: {  	_ =	shalt  }
0x7b: {  	_ =	shalt  }
0x7c: {  	_ =	shalt  }
0x7d: {  	_ =	shalt  }
0x7e: {  	_ =	shalt  }
0x7f: {  	_ =	shalt  }
0x80: {  	_ =	shalt  }
0x81: {  	_ =	shalt  }
0x82: {  	_ =	shalt  }
0x83: {  	_ =	shalt  }
0x84: {  	_ =	shalt  }
0x85: {  	_ =	shalt  }
0x86: {  	_ =	shalt  }
0x87: {  	_ =	shalt  }
.Lfunc_end0:
.L_simem_size_0:
called_computation_lowered:
.L_overlay_start_0:
0x88: {  	s2 =	sld [smem:$0x3FD9]  }
0x89: {  	s3 =	sld [smem:$0x3FFE];
	_ =	sdelay $0x1  }
0x8a: {  	s1 =	srdreg.scid  }
0x8b: {  	s0 =	sand.u32 $0x1, s1  }
0x8c: {  	s17 =	sshll.u32 s0, $0xA;
	s2 =	sadd.s32 s3, s2  }
0x8d: {  	s2 =	sadd.s32 s2, s17  }
0x8e: {  	[smem:$0x3FC6] =	sst s2  }
0x8f: {  	_ = 	snop  }
0x90: {  	s2 =	sld [smem:$0x3FD0];
	(tm) =	ssettm $0x1  }
0x91: {  	s18 =	sld [smem:$0x3FFB];
	_ =	sdelay $0x3  }
0x92: {  	_ =	strace s18  }
0x93: {  	s3 =	sld [smem:$0x3FFC];
	_ =	sdelay $0x3  }
0x94: {  	_ =	strace s3  }
0x95: {  	s3 =	sld [smem:$0x3FFD];
	_ =	sdelay $0x3  }
0x96: {  	_ =	strace s3  }
0x97: {  	_ =	strace $0x8FFFFFFF  }
0x98: {  	s19 =	sld [smem:$0x3FDB];
	_ =	sdelay $0x1  }
0x99: {  	s4 =	simm.s32 $_scs_section_size  }
0x9a: {  	s5 =	simm.s32 $_size__tile_overlayer_lowered;
	s6 =	simm.s32 $_tile_overlayer_lowered  }
0x9b: {  	s22 =	simm.s32 $0x1BFF;
	s21 =	sshll.u32 s6, $0x1;
	s3 =	sadd.s32 s4, s19  }
0x9c: {  	s7 =	simm.s32 $0x0;
	s20 =	sshll.u32 s5, $0x1;
	s5 =	sadd.s32 s21, s3  }
0x9d: {  	[timem:s7], [sflag:s22] =	dma.local [hbm:s5], s20  }
0x9e: {  	_ =	swait.ge [sflag:s22], s20  }
0x9f: {  	s4 =	ssub.s32 $0x0, s20;
	[sflag:s22] =	ssyncset.done $0x0  }
0xa0: {  	[sflag:s22] =	ssyncadd.s32 s4;
	_ =	sdelay $0x1  }
0xa1: {  	s23 =	simm.s32 $0x1B8B  }
0xa2: {  	_ =	swait.ge [sflag:s23], $0x1  }
0xa3: {  	[sflag:s23] =	ssyncset.done $0x0  }
0xa4: {  	s25 =	simm.s32 $0x1B8E;
	s24 =	sld [smem:$0x3FFE];
	[sflag:s23] =	ssyncadd.s32 $0xFFFFFFFF  }
0xa5: {  	s26 =	simm.s32 $execute0_lowered;
	[smem:$0x3FD2] =	sst s25  }
0xa6: {  	s5 =	sshll.u32 s26, $0x1;
	_ =	strace $0x80000046;
	[dreg:$0x1] =	wrdreg $0xFFFFFFFF  }
0xa7: {  	s28 =	simm.s32 $_size_execute0_lowered;
	s3 =	sadd.s32 s3, s5;
	[dreg:$0x0] =	wrdreg $0x0  }
0xa8: {  	s5 =	sshll.u32 s28, $0x1;
	[dreg:$0x2] =	wrdreg s3  }
0xa9: {  	[dreg:$0x3] =	wrdreg s5  }
0xaa: {  	[dreg:$0x4] =	wrdreg $0xC0  }
0xab: {  	_ =	task [dreg:s7], $0x5FFFF  }
0xac: {  	[dreg:$0x1] =	wrdreg $0xFFFFFFFF  }
0xad: {  	[dreg:$0x0] =	wrdreg $0x60  }
0xae: {  	[dreg:$0x2] =	wrdreg s24  }
0xaf: {  	[dreg:$0x3] =	wrdreg s2  }
0xb0: {  	[dreg:$0x4] =	wrdreg $0x9  }
0xb1: {  	_ =	task.clear_ibuf [dreg:s7], $0x5FFFF;
	_ =	strace $0x90000046  }
0xb2: {  	s29 =	simm.s32 $0x9;
	_ =	strace $0x80000048  }
0xb3: {  	_ =	swait.ge [sflag:s29], $0x1  }
0xb4: {  	[sflag:s29] =	ssyncadd.s32 $0xFFFFFFFF  }
0xb5: {  	_ =	strace $0x90000048  }
0xb6: {  	_ =	sfence  }
0xb7: {  	s30 =	sld [smem:$0x0];
	_ =	sdelay $0x2  }
0xb8: {  	s31 =	sshll.u32 s1, $0xD;
	s1 =	sshrl.u32 s1, $0x2  }
0xb9: {  	s3 =	sand.u32 $0x4000, s31;
	s1 =	sadd.s32 s1, s30  }
0xba: {  	s0 =	sor.u32 s3, s0;
	s1 =	sshll.u32 s1, $0x11  }
0xbb: {  	s0 =	sor.u32 s1, s0  }
0xbc: {  	s0 =	sadd.s32 $0x8F2B, s0  }
0xbd: {  	[sflag:s0] =	ssyncadd.remote.s32 $0x1  }
0xbe: {  	_ =	sfence.sel $0xFFFF  }
0xbf: {  	[dreg:$0x0] =	wrdreg $0xFFFFFFFF;
	(pc) =	sbr.abs _section_cstart, $3  }
0xc0: {  	[dreg:$0x1] =	wrdreg $0xFFFFFFFF  }
0xc1: {  	_ =	task.clear_ibuf [dreg:s7], $0x2FFFF;
	_ =	strace $0x9FFFFFFF  }
0xc2: {  	(tm) =	ssettm $0x7FFFFFFF  }
0xc3: {  	_ =	shalt  }
tec
execute0_lowered:
.L_overlay_start_1:
0x0: {  	(tag) =	ssettag $0x1  }
0x1: {  	s1 =	srdreg.scid;
	s0 =	stileid.u32  }
0x2: {  	s2 =	sand.u32 $0x1, s1;
	s18 =	sshll.u32 s0, $0x1  }
0x3: {  	s4 =	rddreg [dreg:$0x0];
	s3 =	sor.u32 s2, s18  }
0x4: {  	s0 =	rddreg [dreg:$0x1];
	s29 =	smul.u32 $0x3400, s3  }
0x5: {  	[dreg:$0xa] =	wrdreg s2;
	s2 =	simm.s32 $0x0;
	s5 =	smul.u32 $0x680, s3  }
0x6: {  	[smem:$0x7FF] =	sst s2;
	s3 =	smul.u32 $0x3400000, s3  }
0x7: {  	_ =	strace $0x80000047;
	s6 =	sshrl.u32 s29, $0xE;
	s8 =	sadd.s32 $0x400, s29  }
0x8: {  	s5 =	sadd.s32 s5, s4;
	s23 =	sadd.s32 $0x800, s29;
	s26 =	sadd.s32 $0xC00, s29  }
0x9: {  	s13 =	sadd.s32 $0x1400, s29;
	s7 =	sshll.u32 s6, $0x1A;
	s19 =	sshrl.u32 s8, $0xE  }
0xa: {  	s6 =	sshll.u32 s6, $0x7;
	s8 =	sshll.u32 s8, $0xC;
	s5 =	sadd.s32 $0x600, s5  }
0xb: {  	s24 =	sshrl.u32 s23, $0xE;
	s1 =	sshrl.u32 s26, $0xE;
	s14 =	sshrl.u32 s13, $0xE  }
0xc: {  	s3 =	ssub.s32 s3, s7;
	s9 =	sshll.u32 s19, $0x1A;
	s7 =	sshll.u32 s19, $0x7  }
0xd: {  	[dreg:$0x3] =	wrdreg s5;
	s5 =	sshll.u32 s23, $0xC;
	s25 =	sshll.u32 s24, $0x1A  }
0xe: {  	s15 =	sshll.u32 s14, $0x1A;
	s3 =	sor.u32 s6, s3;
	s20 =	ssub.s32 s8, s9  }
0xf: {  	s5 =	ssub.s32 s5, s25;
	s8 =	sshll.u32 s1, $0x1A;
	s9 =	sadd.s32 $0x1000, s29  }
0x10: {  	s19 =	rddreg [dreg:$0x3];
	s3 =	sshrl.u32 s3, $0x3;
	s6 =	sadd.s32 s7, s20  }
0x11: {  	[tilespmem:s2], [sflag:$0x5] =	stream.linear.gather [hbm4b:s19+s2], $0x3400, $0x38;
	[tilespmem:$0x13400] =	vst v63  }
0x12: {  	s7 =	sshll.u32 s26, $0xC;
	s11 =	sshrl.u32 s9, $0xE;
	s3 =	sadd.s32 s0, s3  }
0x13: {  	s21 =	sshrl.u32 s6, $0x3;
	s6 =	sshll.u32 s1, $0x7;
	s12 =	sshll.u32 s11, $0x1A  }
0x14: {  	[dreg:$0x4] =	wrdreg s3;
	s22 =	sadd.s32 s0, s21;
	s3 =	sshll.u32 s24, $0x7  }
0x15: {  	[dreg:$0x5] =	wrdreg s22;
	s3 =	sadd.s32 s3, s5;
	s5 =	ssub.s32 s7, s8  }
0x16: {  	s8 =	sshll.u32 s13, $0xC;
	s7 =	sshll.u32 s14, $0x7;
	s3 =	sshrl.u32 s3, $0x3  }
0x17: {  	s5 =	sadd.s32 s6, s5;
	s6 =	sshll.u32 s9, $0xC;
	s16 =	ssub.s32 s8, s15  }
0x18: {  	s10 =	sshrl.u32 s5, $0x3;
	s6 =	ssub.s32 s6, s12;
	s5 =	sshll.u32 s11, $0x7  }
0x19: {  	s3 =	sadd.s32 s0, s3;
	s18 =	sadd.s32 s7, s16;
	s5 =	sadd.s32 s5, s6  }
0x1a: {  	[dreg:$0x6] =	wrdreg s3;
	s3 =	sadd.s32 s0, s10;
	s17 =	sshrl.u32 s5, $0x3  }
0x1b: {  	[dreg:$0x7] =	wrdreg s3;
	s5 =	sshrl.u32 s18, $0x3;
	s3 =	sadd.s32 s0, s17  }
0x1c: {  	s20 =	sadd.s32 s0, s5;
	[dreg:$0x8] =	wrdreg s3  }
0x1d: {  	[dreg:$0x9] =	wrdreg s20;
	s3 =	simm.s32 $0x5  }
0x1e: {  	_ =	swait.ge [sflag:s3], $0x3400  }
0x1f: {  	s4 =	sadd.s32 $0xF42A00, s4;
	[sflag:s3] =	ssyncset.done $0x0  }
0x20: {  	s6 =	simm.s32 $0x3400;
	s5 =	simm.s32 $0x400;
	[sflag:s3] =	ssyncadd.s32 $0xFFFFCC00  }
0x21: {  	[tilespmem:s6], [sflag:$0x1] =	stream.indirect.gather [hbm4b:s4+s5], $0x20, s2, s5, $0xb8;
	[tilespmem:$0x13400] =	vst v63  }
0x22: {  	s8 =	simm.s32 $0x1;
	s7 =	simm.s32 $0xB400  }
0x23: {  	[tilespmem:s7], [sflag:$0x2] =	stream.indirect.gather [hbm4b:s4+s5], $0x20, s5, s5, $0xb8;
	[tilespmem:$0x13400] =	vst v63  }
0x24: {  	_ =	swait.ge [sflag:s8], $0x8000  }
0x25: {  	s9 =	simm.s32 $0x20;
	s11 =	simm.s32 $0x1000;
	[sflag:s8] =	ssyncset.done $0x0  }
0x26: {  	s10 =	simm.s32 $0x3;
	s12 =	rddreg [dreg:$0x4];
	[sflag:s8] =	ssyncadd.s32 $0xFFFF8000  }
0x27: {  	[hbm4b:s12+s9] =	stream.strided.scatter [tilespmem:s6], [sflag:$0x3], $0x8000, s11, s9, $0x38;
	[tilespmem:$0x13400] =	vst v63  }
0x28: {  	_ =	swait.ge [sflag:s10], $0x8000  }
0x29: {  	[sflag:s10] =	ssyncset.done $0x0  }
0x2a: {  	s13 =	simm.s32 $0x2;
	s12 =	simm.s32 $0x800;
	[sflag:s10] =	ssyncadd.s32 $0xFFFF8000  }
0x2b: {  	[tilespmem:s6], [sflag:$0x1] =	stream.indirect.gather [hbm4b:s4+s5], $0x20, s12, s5, $0xb8;
	[tilespmem:$0x13400] =	vst v63  }
0x2c: {  	_ =	swait.ge [sflag:s13], $0x8000  }
0x2d: {  	[sflag:s13] =	ssyncset.done $0x0  }
0x2e: {  	s14 =	simm.s32 $0x4;
	s15 =	rddreg [dreg:$0x5];
	[sflag:s13] =	ssyncadd.s32 $0xFFFF8000  }
0x2f: {  	[hbm4b:s15+s9] =	stream.strided.scatter [tilespmem:s7], [sflag:$0x4], $0x8000, s11, s9, $0x38;
	[tilespmem:$0x13400] =	vst v63  }
0x30: {  	_ =	swait.ge [sflag:s14], $0x8000  }
0x31: {  	[sflag:s14] =	ssyncset.done $0x0  }
0x32: {  	s15 =	simm.s32 $0xC00;
	[sflag:s14] =	ssyncadd.s32 $0xFFFF8000  }
0x33: {  	[tilespmem:s7], [sflag:$0x2] =	stream.indirect.gather [hbm4b:s4+s5], $0x20, s15, s5, $0xb8;
	[tilespmem:$0x13400] =	vst v63  }
0x34: {  	_ =	swait.ge [sflag:s8], $0x8000  }
0x35: {  	[sflag:s8] =	ssyncset.done $0x0  }
0x36: {  	s16 =	rddreg [dreg:$0x6];
	[sflag:s8] =	ssyncadd.s32 $0xFFFF8000  }
0x37: {  	[hbm4b:s16+s9] =	stream.strided.scatter [tilespmem:s6], [sflag:$0x3], $0x8000, s11, s9, $0x38;
	[tilespmem:$0x13400] =	vst v63  }
0x38: {  	_ =	swait.ge [sflag:s10], $0x8000  }
0x39: {  	[sflag:s10] =	ssyncset.done $0x0  }
0x3a: {  	[sflag:s10] =	ssyncadd.s32 $0xFFFF8000  }
0x3b: {  	[tilespmem:s6], [sflag:$0x1] =	stream.indirect.gather [hbm4b:s4+s5], $0x20, s11, s5, $0xb8;
	[tilespmem:$0x13400] =	vst v63  }
0x3c: {  	_ =	swait.ge [sflag:s13], $0x8000  }
0x3d: {  	[sflag:s13] =	ssyncset.done $0x0  }
0x3e: {  	s21 =	rddreg [dreg:$0x7];
	[sflag:s13] =	ssyncadd.s32 $0xFFFF8000  }
0x3f: {  	[hbm4b:s21+s9] =	stream.strided.scatter [tilespmem:s7], [sflag:$0x4], $0x8000, s11, s9, $0x38;
	[tilespmem:$0x13400] =	vst v63  }
0x40: {  	_ =	swait.ge [sflag:s14], $0x8000  }
0x41: {  	[sflag:s14] =	ssyncset.done $0x0  }
0x42: {  	s16 =	simm.s32 $0x1400;
	[sflag:s14] =	ssyncadd.s32 $0xFFFF8000  }
0x43: {  	[tilespmem:s7], [sflag:$0x2] =	stream.indirect.gather [hbm4b:s4+s5], $0x20, s16, s5, $0xb8;
	[tilespmem:$0x13400] =	vst v63  }
0x44: {  	_ =	swait.ge [sflag:s8], $0x8000  }
0x45: {  	[sflag:s8] =	ssyncset.done $0x0  }
0x46: {  	s17 =	rddreg [dreg:$0x8];
	[sflag:s8] =	ssyncadd.s32 $0xFFFF8000  }
0x47: {  	[hbm4b:s17+s9] =	stream.strided.scatter [tilespmem:s6], [sflag:$0x3], $0x8000, s11, s9, $0x38;
	[tilespmem:$0x13400] =	vst v63  }
0x48: {  	_ =	swait.ge [sflag:s10], $0x8000  }
0x49: {  	[sflag:s10] =	ssyncset.done $0x0  }
0x4a: {  	s17 =	simm.s32 $0x1800;
	[sflag:s10] =	ssyncadd.s32 $0xFFFF8000  }
0x4b: {  	[tilespmem:s6], [sflag:$0x1] =	stream.indirect.gather [hbm4b:s4+s5], $0x20, s17, s5, $0xb8;
	[tilespmem:$0x13400] =	vst v63  }
0x4c: {  	_ =	swait.ge [sflag:s13], $0x8000  }
0x4d: {  	[sflag:s13] =	ssyncset.done $0x0  }
0x4e: {  	s19 =	sadd.s32 $0x1800, s29;
	s18 =	rddreg [dreg:$0x9];
	[sflag:s13] =	ssyncadd.s32 $0xFFFF8000  }
0x4f: {  	[hbm4b:s18+s9] =	stream.strided.scatter [tilespmem:s7], [sflag:$0x4], $0x8000, s11, s9, $0x38;
	[tilespmem:$0x13400] =	vst v63  }
0x50: {  	s22 =	sshll.u32 s19, $0xC;
	s20 =	sshrl.u32 s19, $0xE;
	_ =	swait.ge [sflag:s14], $0x8000  }
0x51: {  	s23 =	sshll.u32 s20, $0x1A;
	s20 =	sshll.u32 s20, $0x7;
	[sflag:s14] =	ssyncset.done $0x0  }
0x52: {  	s19 =	ssub.s32 s22, s23;
	s18 =	simm.s32 $0x1C00;
	[sflag:s14] =	ssyncadd.s32 $0xFFFF8000  }
0x53: {  	[tilespmem:s7], [sflag:$0x2] =	stream.indirect.gather [hbm4b:s4+s5], $0x20, s18, s5, $0xb8;
	[tilespmem:$0x13400] =	vst v63  }
0x54: {  	s19 =	sadd.s32 s20, s19;
	_ =	swait.ge [sflag:s8], $0x8000  }
0x55: {  	s19 =	sshrl.u32 s19, $0x3;
	[sflag:s8] =	ssyncset.done $0x0  }
0x56: {  	s24 =	sadd.s32 $0x1C00, s29;
	s19 =	sadd.s32 s0, s19;
	[sflag:s8] =	ssyncadd.s32 $0xFFFF8000  }
0x57: {  	[hbm4b:s19+s9] =	stream.strided.scatter [tilespmem:s6], [sflag:$0x3], $0x8000, s11, s9, $0x38;
	[tilespmem:$0x13400] =	vst v63  }
0x58: {  	s20 =	sshll.u32 s24, $0xC;
	s21 =	sshrl.u32 s24, $0xE;
	_ =	swait.ge [sflag:s10], $0x8000  }
0x59: {  	s22 =	sshll.u32 s21, $0x1A;
	s21 =	sshll.u32 s21, $0x7;
	[sflag:s10] =	ssyncset.done $0x0  }
0x5a: {  	s22 =	ssub.s32 s20, s22;
	s20 =	simm.s32 $0x2000;
	[sflag:s10] =	ssyncadd.s32 $0xFFFF8000  }
0x5b: {  	[tilespmem:s6], [sflag:$0x1] =	stream.indirect.gather [hbm4b:s4+s5], $0x20, s20, s5, $0xb8;
	[tilespmem:$0x13400] =	vst v63  }
0x5c: {  	s21 =	sadd.s32 s21, s22;
	_ =	swait.ge [sflag:s13], $0x8000  }
0x5d: {  	s25 =	sadd.s32 $0x2000, s29;
	s21 =	sshrl.u32 s21, $0x3;
	[sflag:s13] =	ssyncset.done $0x0  }
0x5e: {  	s23 =	sshrl.u32 s25, $0xE;
	s21 =	sadd.s32 s0, s21;
	[sflag:s13] =	ssyncadd.s32 $0xFFFF8000  }
0x5f: {  	[hbm4b:s21+s9] =	stream.strided.scatter [tilespmem:s7], [sflag:$0x4], $0x8000, s11, s9, $0x38;
	[tilespmem:$0x13400] =	vst v63  }
0x60: {  	s24 =	sshll.u32 s23, $0x1A;
	_ =	swait.ge [sflag:s14], $0x8000  }
0x61: {  	s23 =	sshll.u32 s23, $0x7;
	s22 =	sshll.u32 s25, $0xC;
	[sflag:s14] =	ssyncset.done $0x0  }
0x62: {  	s24 =	ssub.s32 s22, s24;
	s22 =	simm.s32 $0x2400;
	[sflag:s14] =	ssyncadd.s32 $0xFFFF8000  }
0x63: {  	[tilespmem:s7], [sflag:$0x2] =	stream.indirect.gather [hbm4b:s4+s5], $0x20, s22, s5, $0xb8;
	[tilespmem:$0x13400] =	vst v63  }
0x64: {  	s23 =	sadd.s32 s23, s24;
	_ =	swait.ge [sflag:s8], $0x8000  }
0x65: {  	s23 =	sshrl.u32 s23, $0x3;
	[sflag:s8] =	ssyncset.done $0x0  }
0x66: {  	s26 =	sadd.s32 $0x2400, s29;
	s23 =	sadd.s32 s0, s23;
	[sflag:s8] =	ssyncadd.s32 $0xFFFF8000  }
0x67: {  	[hbm4b:s23+s9] =	stream.strided.scatter [tilespmem:s6], [sflag:$0x3], $0x8000, s11, s9, $0x38;
	[tilespmem:$0x13400] =	vst v63  }
0x68: {  	s25 =	sshrl.u32 s26, $0xE;
	s24 =	sshll.u32 s26, $0xC;
	_ =	swait.ge [sflag:s10], $0x8000  }
0x69: {  	s26 =	sshll.u32 s25, $0x1A;
	s25 =	sshll.u32 s25, $0x7;
	[sflag:s10] =	ssyncset.done $0x0  }
0x6a: {  	s26 =	ssub.s32 s24, s26;
	s24 =	simm.s32 $0x2800;
	[sflag:s10] =	ssyncadd.s32 $0xFFFF8000  }
0x6b: {  	[tilespmem:s6], [sflag:$0x1] =	stream.indirect.gather [hbm4b:s4+s5], $0x20, s24, s5, $0xb8;
	[tilespmem:$0x13400] =	vst v63  }
0x6c: {  	s25 =	sadd.s32 s25, s26;
	_ =	swait.ge [sflag:s13], $0x8000  }
0x6d: {  	s1 =	sadd.s32 $0x2800, s29;
	s25 =	sshrl.u32 s25, $0x3;
	[sflag:s13] =	ssyncset.done $0x0  }
0x6e: {  	s28 =	sshrl.u32 s1, $0xE;
	s25 =	sadd.s32 s0, s25;
	[sflag:s13] =	ssyncadd.s32 $0xFFFF8000  }
0x6f: {  	[hbm4b:s25+s9] =	stream.strided.scatter [tilespmem:s7], [sflag:$0x4], $0x8000, s11, s9, $0x38;
	[tilespmem:$0x13400] =	vst v63  }
0x70: {  	s31 =	sshll.u32 s28, $0x1A;
	_ =	swait.ge [sflag:s14], $0x8000  }
0x71: {  	s28 =	sshll.u32 s28, $0x7;
	s26 =	sshll.u32 s1, $0xC;
	[sflag:s14] =	ssyncset.done $0x0  }
0x72: {  	s31 =	ssub.s32 s26, s31;
	s26 =	simm.s32 $0x2C00;
	[sflag:s14] =	ssyncadd.s32 $0xFFFF8000  }
0x73: {  	[tilespmem:s7], [sflag:$0x2] =	stream.indirect.gather [hbm4b:s4+s5], $0x20, s26, s5, $0xb8;
	[tilespmem:$0x13400] =	vst v63  }
0x74: {  	s28 =	sadd.s32 s28, s31;
	_ =	swait.ge [sflag:s8], $0x8000  }
0x75: {  	s31 =	sadd.s32 $0x2C00, s29;
	s28 =	sshrl.u32 s28, $0x3;
	[sflag:s8] =	ssyncset.done $0x0  }
0x76: {  	s1 =	sshrl.u32 s31, $0xE;
	s28 =	sadd.s32 s0, s28;
	[sflag:s8] =	ssyncadd.s32 $0xFFFF8000  }
0x77: {  	[hbm4b:s28+s9] =	stream.strided.scatter [tilespmem:s6], [sflag:$0x3], $0x8000, s11, s9, $0x38;
	[tilespmem:$0x13400] =	vst v63  }
0x78: {  	s31 =	sshll.u32 s31, $0xC;
	s30 =	sshll.u32 s1, $0x1A;
	_ =	swait.ge [sflag:s10], $0x8000  }
0x79: {  	s0 =	sshll.u32 s1, $0x7;
	s30 =	ssub.s32 s31, s30;
	[sflag:s10] =	ssyncset.done $0x0  }
0x7a: {  	s31 =	sadd.s32 $0x3000, s29;
	s29 =	simm.s32 $0x3000;
	[sflag:s10] =	ssyncadd.s32 $0xFFFF8000  }
0x7b: {  	[tilespmem:s6], [sflag:$0x1] =	stream.indirect.gather [hbm4b:s4+s5], $0x20, s29, s5, $0xb8;
	[tilespmem:$0x13400] =	vst v63  }
0x7c: {  	s0 =	sadd.s32 s0, s30;
	s30 =	sshrl.u32 s31, $0xE;
	_ =	swait.ge [sflag:s13], $0x8000  }
0x7d: {  	s31 =	sshll.u32 s31, $0xC;
	s1 =	sshll.u32 s30, $0x1A;
	[sflag:s13] =	ssyncset.done $0x0  }
0x7e: {  	s0 =	sshrl.u32 s0, $0x3;
	s1 =	ssub.s32 s31, s1;
	s31 =	rddreg [dreg:$0x1]  }
0x7f: {  	[sflag:s13] =	ssyncadd.s32 $0xFFFF8000;
	s31 =	sadd.s32 s31, s0  }
0x80: {  	[hbm4b:s31+s9] =	stream.strided.scatter [tilespmem:s7], [sflag:$0x4], $0x8000, s11, s9, $0x38;
	[tilespmem:$0x13400] =	vst v63  }
0x81: {  	s0 =	sshll.u32 s30, $0x7;
	_ =	swait.ge [sflag:s8], $0x8000  }
0x82: {  	s0 =	sadd.s32 s0, s1;
	[sflag:s8] =	ssyncset.done $0x0  }
0x83: {  	s0 =	sshrl.u32 s0, $0x3;
	s1 =	rddreg [dreg:$0x1]  }
0x84: {  	s1 =	sadd.s32 s1, s0;
	s0 =	rddreg [dreg:$0xa]  }
0x85: {  	[sflag:s8] =	ssyncadd.s32 $0xFFFF8000;
	s0 =	ssub.s32 $0x2, s0  }
0x86: {  	[hbm4b:s1+s9] =	stream.strided.scatter [tilespmem:s6], [sflag:$0x3], $0x8000, s11, s9, $0x38;
	[tilespmem:$0x13400] =	vst v63  }
0x87: {  	s30 =	sshrl.u32 s0, $0x1  }
0x88: {  	s0 =	ssub.s32 s0, s30  }
0x89: {  	s0 =	smax.u32 s0, $0x1  }
0x8a: {  	p0 =	sne.s32 s0, $0x1  }
.Ltmp0:
0x8b: {  	_ =	swait.ge [sflag:s14], $0x8000;
	(pc) =	sbr.rel @!p0 .LBB2_2-.Ltmp0, $4  }
0x8c: {  	[sflag:s14] =	ssyncset.done $0x0  }
0x8d: {  	[sflag:s14] =	ssyncadd.s32 $0xFFFF8000  }
0x8e: {  	_ =	swait.ge [sflag:s10], $0x8000  }
0x8f: {  	s30 =	sadd.s32 $0xFFFFFFFF, s0;
	[sflag:s10] =	ssyncset.done $0x0  }
.LBB2_1:
0x90: {  	s0 =	rddreg [dreg:$0x3];
	[sflag:s10] =	ssyncadd.s32 $0xFFFF8000  }
0x91: {  	[tilespmem:s2], [sflag:$0x5] =	stream.linear.gather [hbm4b:s0+s2], $0x3400, $0x38;
	[tilespmem:$0x13400] =	vst v63  }
0x92: {  	_ =	swait.ge [sflag:s3], $0x3400  }
0x93: {  	[sflag:s3] =	ssyncset.done $0x0  }
0x94: {  	[sflag:s3] =	ssyncadd.s32 $0xFFFFCC00  }
0x95: {  	[tilespmem:s6], [sflag:$0x1] =	stream.indirect.gather [hbm4b:s4+s5], $0x20, s2, s5, $0xb8;
	[tilespmem:$0x13400] =	vst v63  }
0x96: {  	_ = 	snop  }
0x97: {  	[tilespmem:s7], [sflag:$0x2] =	stream.indirect.gather [hbm4b:s4+s5], $0x20, s5, s5, $0xb8;
	[tilespmem:$0x13400] =	vst v63  }
0x98: {  	_ =	swait.ge [sflag:s8], $0x8000  }
0x99: {  	[sflag:s8] =	ssyncset.done $0x0  }
0x9a: {  	s0 =	rddreg [dreg:$0x4];
	[sflag:s8] =	ssyncadd.s32 $0xFFFF8000  }
0x9b: {  	[hbm4b:s0+s9] =	stream.strided.scatter [tilespmem:s6], [sflag:$0x3], $0x8000, s11, s9, $0x38;
	[tilespmem:$0x13400] =	vst v63  }
0x9c: {  	_ =	swait.ge [sflag:s10], $0x8000  }
0x9d: {  	[sflag:s10] =	ssyncset.done $0x0  }
0x9e: {  	[sflag:s10] =	ssyncadd.s32 $0xFFFF8000  }
0x9f: {  	[tilespmem:s6], [sflag:$0x1] =	stream.indirect.gather [hbm4b:s4+s5], $0x20, s12, s5, $0xb8;
	[tilespmem:$0x13400] =	vst v63  }
0xa0: {  	_ =	swait.ge [sflag:s13], $0x8000  }
0xa1: {  	[sflag:s13] =	ssyncset.done $0x0  }
0xa2: {  	s0 =	rddreg [dreg:$0x5];
	[sflag:s13] =	ssyncadd.s32 $0xFFFF8000  }
0xa3: {  	[hbm4b:s0+s9] =	stream.strided.scatter [tilespmem:s7], [sflag:$0x4], $0x8000, s11, s9, $0x38;
	[tilespmem:$0x13400] =	vst v63  }
0xa4: {  	_ =	swait.ge [sflag:s14], $0x8000  }
0xa5: {  	[sflag:s14] =	ssyncset.done $0x0  }
0xa6: {  	[sflag:s14] =	ssyncadd.s32 $0xFFFF8000  }
0xa7: {  	[tilespmem:s7], [sflag:$0x2] =	stream.indirect.gather [hbm4b:s4+s5], $0x20, s15, s5, $0xb8;
	[tilespmem:$0x13400] =	vst v63  }
0xa8: {  	_ =	swait.ge [sflag:s8], $0x8000  }
0xa9: {  	[sflag:s8] =	ssyncset.done $0x0  }
0xaa: {  	s0 =	rddreg [dreg:$0x6];
	[sflag:s8] =	ssyncadd.s32 $0xFFFF8000  }
0xab: {  	[hbm4b:s0+s9] =	stream.strided.scatter [tilespmem:s6], [sflag:$0x3], $0x8000, s11, s9, $0x38;
	[tilespmem:$0x13400] =	vst v63  }
0xac: {  	_ =	swait.ge [sflag:s10], $0x8000  }
0xad: {  	[sflag:s10] =	ssyncset.done $0x0  }
0xae: {  	[sflag:s10] =	ssyncadd.s32 $0xFFFF8000  }
0xaf: {  	[tilespmem:s6], [sflag:$0x1] =	stream.indirect.gather [hbm4b:s4+s5], $0x20, s11, s5, $0xb8;
	[tilespmem:$0x13400] =	vst v63  }
0xb0: {  	_ =	swait.ge [sflag:s13], $0x8000  }
0xb1: {  	[sflag:s13] =	ssyncset.done $0x0  }
0xb2: {  	s0 =	rddreg [dreg:$0x7];
	[sflag:s13] =	ssyncadd.s32 $0xFFFF8000  }
0xb3: {  	[hbm4b:s0+s9] =	stream.strided.scatter [tilespmem:s7], [sflag:$0x4], $0x8000, s11, s9, $0x38;
	[tilespmem:$0x13400] =	vst v63  }
0xb4: {  	_ =	swait.ge [sflag:s14], $0x8000  }
0xb5: {  	[sflag:s14] =	ssyncset.done $0x0  }
0xb6: {  	[sflag:s14] =	ssyncadd.s32 $0xFFFF8000  }
0xb7: {  	[tilespmem:s7], [sflag:$0x2] =	stream.indirect.gather [hbm4b:s4+s5], $0x20, s16, s5, $0xb8;
	[tilespmem:$0x13400] =	vst v63  }
0xb8: {  	_ =	swait.ge [sflag:s8], $0x8000  }
0xb9: {  	[sflag:s8] =	ssyncset.done $0x0  }
0xba: {  	s0 =	rddreg [dreg:$0x8];
	[sflag:s8] =	ssyncadd.s32 $0xFFFF8000  }
0xbb: {  	[hbm4b:s0+s9] =	stream.strided.scatter [tilespmem:s6], [sflag:$0x3], $0x8000, s11, s9, $0x38;
	[tilespmem:$0x13400] =	vst v63  }
0xbc: {  	_ =	swait.ge [sflag:s10], $0x8000  }
0xbd: {  	[sflag:s10] =	ssyncset.done $0x0  }
0xbe: {  	[sflag:s10] =	ssyncadd.s32 $0xFFFF8000  }
0xbf: {  	[tilespmem:s6], [sflag:$0x1] =	stream.indirect.gather [hbm4b:s4+s5], $0x20, s17, s5, $0xb8;
	[tilespmem:$0x13400] =	vst v63  }
0xc0: {  	_ =	swait.ge [sflag:s13], $0x8000  }
0xc1: {  	[sflag:s13] =	ssyncset.done $0x0  }
0xc2: {  	s0 =	rddreg [dreg:$0x9];
	[sflag:s13] =	ssyncadd.s32 $0xFFFF8000  }
0xc3: {  	[hbm4b:s0+s9] =	stream.strided.scatter [tilespmem:s7], [sflag:$0x4], $0x8000, s11, s9, $0x38;
	[tilespmem:$0x13400] =	vst v63  }
0xc4: {  	_ =	swait.ge [sflag:s14], $0x8000  }
0xc5: {  	[sflag:s14] =	ssyncset.done $0x0  }
0xc6: {  	[sflag:s14] =	ssyncadd.s32 $0xFFFF8000  }
0xc7: {  	[tilespmem:s7], [sflag:$0x2] =	stream.indirect.gather [hbm4b:s4+s5], $0x20, s18, s5, $0xb8;
	[tilespmem:$0x13400] =	vst v63  }
0xc8: {  	_ =	swait.ge [sflag:s8], $0x8000  }
0xc9: {  	[sflag:s8] =	ssyncset.done $0x0  }
0xca: {  	[sflag:s8] =	ssyncadd.s32 $0xFFFF8000  }
0xcb: {  	[hbm4b:s19+s9] =	stream.strided.scatter [tilespmem:s6], [sflag:$0x3], $0x8000, s11, s9, $0x38;
	[tilespmem:$0x13400] =	vst v63  }
0xcc: {  	_ =	swait.ge [sflag:s10], $0x8000  }
0xcd: {  	[sflag:s10] =	ssyncset.done $0x0  }
0xce: {  	[sflag:s10] =	ssyncadd.s32 $0xFFFF8000  }
0xcf: {  	[tilespmem:s6], [sflag:$0x1] =	stream.indirect.gather [hbm4b:s4+s5], $0x20, s20, s5, $0xb8;
	[tilespmem:$0x13400] =	vst v63  }
0xd0: {  	_ =	swait.ge [sflag:s13], $0x8000  }
0xd1: {  	[sflag:s13] =	ssyncset.done $0x0  }
0xd2: {  	[sflag:s13] =	ssyncadd.s32 $0xFFFF8000  }
0xd3: {  	[hbm4b:s21+s9] =	stream.strided.scatter [tilespmem:s7], [sflag:$0x4], $0x8000, s11, s9, $0x38;
	[tilespmem:$0x13400] =	vst v63  }
0xd4: {  	_ =	swait.ge [sflag:s14], $0x8000  }
0xd5: {  	[sflag:s14] =	ssyncset.done $0x0  }
0xd6: {  	[sflag:s14] =	ssyncadd.s32 $0xFFFF8000  }
0xd7: {  	[tilespmem:s7], [sflag:$0x2] =	stream.indirect.gather [hbm4b:s4+s5], $0x20, s22, s5, $0xb8;
	[tilespmem:$0x13400] =	vst v63  }
0xd8: {  	_ =	swait.ge [sflag:s8], $0x8000  }
0xd9: {  	[sflag:s8] =	ssyncset.done $0x0  }
0xda: {  	[sflag:s8] =	ssyncadd.s32 $0xFFFF8000  }
0xdb: {  	[hbm4b:s23+s9] =	stream.strided.scatter [tilespmem:s6], [sflag:$0x3], $0x8000, s11, s9, $0x38;
	[tilespmem:$0x13400] =	vst v63  }
0xdc: {  	_ =	swait.ge [sflag:s10], $0x8000  }
0xdd: {  	[sflag:s10] =	ssyncset.done $0x0  }
0xde: {  	[sflag:s10] =	ssyncadd.s32 $0xFFFF8000  }
0xdf: {  	[tilespmem:s6], [sflag:$0x1] =	stream.indirect.gather [hbm4b:s4+s5], $0x20, s24, s5, $0xb8;
	[tilespmem:$0x13400] =	vst v63  }
0xe0: {  	_ =	swait.ge [sflag:s13], $0x8000  }
0xe1: {  	[sflag:s13] =	ssyncset.done $0x0  }
0xe2: {  	[sflag:s13] =	ssyncadd.s32 $0xFFFF8000  }
0xe3: {  	[hbm4b:s25+s9] =	stream.strided.scatter [tilespmem:s7], [sflag:$0x4], $0x8000, s11, s9, $0x38;
	[tilespmem:$0x13400] =	vst v63  }
0xe4: {  	_ =	swait.ge [sflag:s14], $0x8000  }
0xe5: {  	[sflag:s14] =	ssyncset.done $0x0  }
0xe6: {  	[sflag:s14] =	ssyncadd.s32 $0xFFFF8000  }
0xe7: {  	[tilespmem:s7], [sflag:$0x2] =	stream.indirect.gather [hbm4b:s4+s5], $0x20, s26, s5, $0xb8;
	[tilespmem:$0x13400] =	vst v63  }
0xe8: {  	_ =	swait.ge [sflag:s8], $0x8000  }
0xe9: {  	[sflag:s8] =	ssyncset.done $0x0  }
0xea: {  	[sflag:s8] =	ssyncadd.s32 $0xFFFF8000  }
0xeb: {  	[hbm4b:s28+s9] =	stream.strided.scatter [tilespmem:s6], [sflag:$0x3], $0x8000, s11, s9, $0x38;
	[tilespmem:$0x13400] =	vst v63  }
0xec: {  	_ =	swait.ge [sflag:s10], $0x8000  }
0xed: {  	[sflag:s10] =	ssyncset.done $0x0  }
0xee: {  	[sflag:s10] =	ssyncadd.s32 $0xFFFF8000  }
0xef: {  	[tilespmem:s6], [sflag:$0x1] =	stream.indirect.gather [hbm4b:s4+s5], $0x20, s29, s5, $0xb8;
	[tilespmem:$0x13400] =	vst v63  }
0xf0: {  	_ =	swait.ge [sflag:s13], $0x8000  }
0xf1: {  	[sflag:s13] =	ssyncset.done $0x0  }
0xf2: {  	[sflag:s13] =	ssyncadd.s32 $0xFFFF8000  }
0xf3: {  	[hbm4b:s31+s9] =	stream.strided.scatter [tilespmem:s7], [sflag:$0x4], $0x8000, s11, s9, $0x38;
	[tilespmem:$0x13400] =	vst v63  }
0xf4: {  	_ =	swait.ge [sflag:s8], $0x8000  }
0xf5: {  	[sflag:s8] =	ssyncset.done $0x0  }
0xf6: {  	p0 =	sne.s32 s30, $0x1;
	[sflag:s8] =	ssyncadd.s32 $0xFFFF8000  }
0xf7: {  	[hbm4b:s1+s9] =	stream.strided.scatter [tilespmem:s6], [sflag:$0x3], $0x8000, s11, s9, $0x38;
	[tilespmem:$0x13400] =	vst v63  }
.Ltmp1:
0xf8: {  	_ =	swait.ge [sflag:s14], $0x8000;
	(pc) =	sbr.rel @p0 .LBB2_1-.Ltmp1, $4  }
0xf9: {  	[sflag:s14] =	ssyncset.done $0x0  }
0xfa: {  	[sflag:s14] =	ssyncadd.s32 $0xFFFF8000  }
0xfb: {  	_ =	swait.ge [sflag:s10], $0x8000  }
0xfc: {  	s30 =	sadd.s32 $0xFFFFFFFF, s30;
	[sflag:s10] =	ssyncset.done $0x0  }
.LBB2_2:
0xfd: {  	[sflag:s10] =	ssyncadd.s32 $0xFFFF8000  }
0xfe: {  	_ =	sfence.sel $0x180000  }
0xff: {  	[bflag:$0x0] =	sbarrier.arrive $0xFFFF  }
0x100: {  	_ =	strace $0x90000047  }
0x101: {  	s0 =	stileid.u32;
	[bflag:$0x2] =	sbarrier.arrive $0xFFFF  }
0x102: {  	p0 =	sne.s32 s0, $0x0;
	s0 =	rddreg [dreg:$0x2]  }
0x103: {  	s0 =	sadd.s32 @!p0 $0x100000, s0  }
0x104: {  	[sflag:s0] =	ssyncadd.tile.s32 @!p0 $0x1;
	_ =	shalt  }
.Lfunc_end2:
_tile_overlayer_lowered:
.L_overlay_start_2:
0x105: {  	(tag) =	ssettag $0x2  }
0x106: {  	s0 =	rddreg [dreg:$0x0];
	s2 =	stileid.u32  }
0x107: {  	s1 =	rddreg [dreg:$0x1];
	p0 =	sne.s32 s2, $0x0  }
0x108: {  	s3 =	rddreg [dreg:$0x2];
	[bflag:$0x3] =	sbarrier.arrive $0xFFFF;
	s2 =	simm.s32 @!p0 $0x1C05  }
0x109: {  	[timem:s3], [sflag:s2] =	dma.local @!p0 [hbm:s0], s1  }
0x10a: {  	s0 =	simm.s32 @!p0 $0x5  }
0x10b: {  	_ =	swait.ge @!p0 [sflag:s0], s1  }
0x10c: {  	s1 =	ssub.s32 @!p0 $0x0, s1;
	[sflag:s0] =	ssyncset.done @!p0 $0x0  }
0x10d: {  	[sflag:s0] =	ssyncadd.s32 @!p0 s1  }
0x10e: {  	[bflag:$0x3] =	sbarrier.arrive $0xFFFF  }
0x10f: {  	_ =	shalt  }

</sc_bundles>
